<compile_context>
chip_gen: v7x
topology: tpu7x:2x2x1
jax: 0.10.2.dev20260603
libtpu: 0.0.44.dev20260713+nightly
codegen_flags: <defaults>
</compile_context>

<pallas_src>
import functools

import jax
import jax.numpy as jnp
from jax import lax
from jax.experimental import pallas as pl
from jax.experimental.pallas import tpu as pltpu
from jax.experimental.pallas import tpu_sc as plsc

B = 32
D = 1024
E = 128
L = 16
NC = 2
NS = 16
NW = NC * NS
UNROLL = 4
LIP = 0.05
VALID_STEP = 10.0

_mesh = plsc.VectorSubcoreMesh(
    core_axis_name="c", subcore_axis_name="s", num_cores=NC, num_subcores=NS)


def _rsqrt(x):
    i = lax.bitcast_convert_type(x, jnp.int32)
    y = lax.bitcast_convert_type(jnp.int32(0x5F3759DF) - (i >> 1), jnp.float32)
    for _ in range(3):
        y = y * (1.5 - 0.5 * x * y * y)
    return y


def _sc_body(inp_hbm, out_hbm, part_hbm, inp_v, out_v, part_v):
    b = lax.axis_index("s") * NC + lax.axis_index("c")
    lane = lax.iota(jnp.int32, L)

    pltpu.sync_copy(inp_hbm.at[pl.ds(b * (4 * D), 4 * D)], inp_v)
    pltpu.sync_copy(out_hbm.at[pl.ds(b * (4 * E), 4 * E)], out_v)

    def hr_body(c, carry):
        acc, asum = carry
        for u in range(UNROLL):
            h = out_v[pl.ds((c * UNROLL + u) * L, L)]
            acc = acc + h * h
            asum = asum + h
        return acc, asum
    acc0, asum0 = lax.fori_loop(
        0, E // (L * UNROLL), hr_body,
        (jnp.zeros((L,), jnp.float32), jnp.zeros((L,), jnp.float32)))
    ss0 = jnp.sum(acc0)
    rowsum = jnp.sum(asum0)
    r0 = _rsqrt(ss0)

    partial = jnp.float32(0.0)
    for j in range(1, 4):
        def inp_body(c, carry):
            acc, mx = carry
            for u in range(UNROLL):
                o = (c * UNROLL + u) * L
                d = inp_v[pl.ds(j * D + o, L)] - inp_v[pl.ds(o, L)]
                acc = acc + d * d
                mx = jnp.maximum(mx, jnp.abs(d))
            return acc, mx
        acc, mx = lax.fori_loop(
            0, D // (L * UNROLL), inp_body,
            (jnp.zeros((L,), jnp.float32), jnp.zeros((L,), jnp.float32)))
        ss_inp = jnp.sum(acc)
        same = jnp.max(mx) == 0.0

        def out_body(c, carry):
            aj, ad = carry
            for u in range(UNROLL):
                o = (c * UNROLL + u) * L
                h = out_v[pl.ds(o, L)]
                lr = out_v[pl.ds(j * E + o, L)]
                aj = aj + lr * lr
                ad = ad + h * lr
            return aj, ad
        aj, ad = lax.fori_loop(
            0, E // (L * UNROLL), out_body,
            (jnp.zeros((L,), jnp.float32), jnp.zeros((L,), jnp.float32)))
        cos = jnp.sum(ad) * r0 * _rsqrt(jnp.sum(aj))
        ratio = (1.0 - cos) * _rsqrt(ss_inp)
        pen = jnp.maximum(ratio - LIP, 0.0)
        pen = jnp.where(same, 0.0, pen)
        partial = partial + pen

    part_v[...] = jnp.where(lane == 0, partial,
                            jnp.where(lane == 1, rowsum, 0.0))
    pltpu.sync_copy(part_v, part_hbm.at[b])


_sc_call = functools.partial(
    pl.kernel,
    out_type=jax.ShapeDtypeStruct((NW, L), jnp.float32),
    mesh=_mesh,
    compiler_params=pltpu.CompilerParams(needs_layout_passes=False),
    scratch_types=[
        pltpu.VMEM((4 * D,), jnp.float32),
        pltpu.VMEM((4 * E,), jnp.float32),
        pltpu.VMEM((L,), jnp.float32),
    ],
)(_sc_body)


def _fin_body(part_ref, labels_ref, o_ref):
    partials = part_ref[...]
    labels = labels_ref[...]
    lane = jax.lax.broadcasted_iota(jnp.int32, (NW, L), 1)
    loss = jnp.sum(jnp.where(lane == 0, partials, 0.0)) / jnp.float32(B * 3)

    match = labels[:, 0] == labels[0, 0]
    k = jnp.sum(match.astype(jnp.int32))
    nw = jnp.minimum(k, 4)
    row = jax.lax.broadcasted_iota(jnp.int32, (B, B), 0)
    col = jax.lax.broadcasted_iota(jnp.int32, (B, B), 1)
    after = jnp.sum(jnp.where((col > row) & match[None, :], 1, 0), axis=1)
    survive = match & (after <= 3)
    rowsum = partials[:, 1]
    mem_sum = jnp.sum(jnp.where(survive, rowsum, 0.0))
    val_sum = VALID_STEP * nw.astype(jnp.float32) - 4.0

    total = loss + 0.0 * mem_sum + 0.0 * val_sum
    o_ref[...] = jnp.broadcast_to(total, (1, 1))


def kernel(inp, out, labels, memory_bank_HR, validness):
    del memory_bank_HR, validness
    partials = _sc_call(inp.reshape(B * 4 * D), out.reshape(B * 4 * E))
    res = pl.pallas_call(
        _fin_body,
        out_shape=jax.ShapeDtypeStruct((1, 1), jnp.float32),
    )(partials, labels.reshape(B, 1).astype(jnp.int32))
    return res[0, 0]

# --- scband reference (transcript-rebuilt; emitter-appended) ---
"""Pipeline reference for scband-lipschitz-loss-43542378447380 (READ-ONLY COPY).

The authoritative reference and input builder live on the scoring server;
editing this copy changes nothing except your own understanding.
"""

import jax, jax.numpy as jnp
import numpy as np

NUM_CLASSES = 100000
MAX_ID_SIZE = 4
EMB = 128
VALID_STEP = 10
LIP = 0.05
DETACH_HR = False
SQUARED = False
LIP_NEGATIVE = False


def setup_inputs(seed: int = 0) -> dict:
    key = jax.random.key(seed)
    k1, k2, k3 = jax.random.split(key, 3)
    inp = jax.random.normal(k1, (32, 4, 1024), dtype=jnp.float32)
    out = jax.random.normal(k2, (32, 4, EMB), dtype=jnp.float32)
    labels = jax.random.randint(k3, (32,), 0, NUM_CLASSES)
    # module buffers (state), zero-initialized as in __init__
    memory_bank_HR = jnp.zeros((NUM_CLASSES, MAX_ID_SIZE, EMB), dtype=jnp.float32)
    validness = jnp.zeros((NUM_CLASSES, MAX_ID_SIZE), dtype=jnp.float32)
    return {"inp": inp, "out": out, "labels": labels,
            "memory_bank_HR": memory_bank_HR, "validness": validness}


def _cos_sim(a, b, eps=1e-8):
    num = jnp.sum(a * b, axis=-1)
    den = jnp.maximum(jnp.linalg.norm(a, axis=-1) * jnp.linalg.norm(b, axis=-1), eps)
    return num / den


def _update_memory(memory_bank_HR, validness, out, labels, valid_step):
    # sequential scatter-overwrite into the class-indexed memory bank,
    # matching the per-sample python loop in the torch forward
    B = out.shape[0]

    def body(carry, b):
        mem, val = carry
        lab = labels[b]
        min_index = jnp.argmin(val[lab])
        mem = mem.at[lab, min_index].set(out[b, 0])
        val = val.at[lab, min_index].set(jnp.float32(valid_step))
        return (mem, val), None

    (mem, val), _ = jax.lax.scan(body, (memory_bank_HR, validness), jnp.arange(B))
    val = val - 1.0
    return mem, val


def _positive(inp, out, lip, squared, detach_HR):
    inp_HR = inp[:, 0, :]
    inp_LR = inp[:, 1:, :]
    HR = out[:, 0, :]
    LR = out[:, 1:, :]
    inp_diff = jnp.sqrt(jnp.sum((inp_LR - inp_HR[:, None, :]) ** 2, axis=-1))
    norms_HR = jax.lax.stop_gradient(jnp.linalg.norm(HR, axis=-1))
    norms_LR = jax.lax.stop_gradient(jnp.linalg.norm(LR, axis=-1))
    HRn = HR / norms_HR[:, None]
    LRn = LR / norms_LR[:, :, None]
    if detach_HR:
        HRn = jax.lax.stop_gradient(HRn)
    out_diff = 1.0 - _cos_sim(HRn[:, None, :], LRn)
    ratio = out_diff / inp_diff
    if not squared:
        pen = jnp.maximum(ratio - lip, 0.0)
    else:
        pen = (ratio - lip) ** 2
    same = jnp.all(inp_LR == inp_HR[:, None, :], axis=-1)
    pen = jnp.where(same, 0.0, pen)
    return jnp.mean(pen)


def reference(inp, out, labels, memory_bank_HR, validness):
    # buffer update (scatter-overwrite of embeddings into the bank)
    mem, val = _update_memory(memory_bank_HR, validness, out, labels, VALID_STEP)
    # lip_negative=False branch: loss is the positive Lipschitz penalty only
    loss = _positive(inp, out, LIP, SQUARED, DETACH_HR)
    # keep the scatter-updated state live in the output graph with zero contribution
    loss = loss + 0.0 * jnp.sum(mem[labels[0]]) + 0.0 * jnp.sum(val[labels[0]])
    return loss

if __name__ == "__main__":
    import jax
    _d = setup_inputs()
    print(jax.jit(kernel)(*tuple(_d.values())))

</pallas_src>

<mosaic_0001>
#map = affine_map<(d0, d1) -> (0)>
#map1 = affine_map<(d0, d1) -> (0, 0)>
module attributes {stable_mosaic.version = 14 : i64} {
  func.func @_sc_body(%arg0: i32, %arg1: i32, %arg2: memref<131072xf32, #tpu.memory_space<hbm>>, %arg3: memref<16384xf32, #tpu.memory_space<hbm>>, %arg4: memref<32x16xf32, #tpu.memory_space<hbm>>, %arg5: memref<4096xf32, #tpu.memory_space<vmem>>, %arg6: memref<512xf32, #tpu.memory_space<vmem>>, %arg7: memref<16xf32, #tpu.memory_space<vmem>>) attributes {dimension_semantics = [#tpu.dimension_semantics<core_parallel>, #tpu.dimension_semantics<subcore_parallel>], iteration_bounds = array<i64: 2, 16>, scalar_prefetch = 0 : i64, scratch_operands = 3 : i64, tpu.core_type = #tpu.core_type<sc_vector_subcore>, window_params = [{transform_indices = #map}, {transform_indices = #map}, {transform_indices = #map1}]} {
    %mul3A = arith.constant 2 : i32
    %mul3A_0 = arith.muli %arg1, %mul3A : i32
    %add3A = arith.addi %mul3A_0, %arg0 : i32
    %iota3A = tpu.iota {dimensions = array<i32: 0>} : vector<16xi32>
    %mul3A_1 = arith.constant 4096 : i32
    %mul3A_2 = arith.muli %add3A, %mul3A_1 : i32
    "tpu.region"() ({
      %run_scoped3A = tpu.sem_alloc : memref<!tpu.dma_semaphore, #tpu.memory_space<semaphore_mem>>
      %dma_start3A = tpu.memref_slice %arg2[%mul3A_2] : memref<131072xf32, #tpu.memory_space<hbm>> -> memref<4096xf32, #tpu.memory_space<hbm>>
      %dma_start3A_365 = tpu.memref_slice %arg2[%mul3A_2] : memref<131072xf32, #tpu.memory_space<hbm>> -> memref<4096xf32, #tpu.memory_space<hbm>>
      tpu.enqueue_dma source(%dma_start3A_365 : memref<4096xf32, #tpu.memory_space<hbm>>) target(%arg5 : memref<4096xf32, #tpu.memory_space<vmem>>) target_semaphore(%run_scoped3A : memref<!tpu.dma_semaphore, #tpu.memory_space<semaphore_mem>>)
      %dma_wait3A = tpu.memref_slice %arg2[%mul3A_2] : memref<131072xf32, #tpu.memory_space<hbm>> -> memref<4096xf32, #tpu.memory_space<hbm>>
      %dma_wait3A_366 = tpu.memref_slice %arg2[%mul3A_2] : memref<131072xf32, #tpu.memory_space<hbm>> -> memref<4096xf32, #tpu.memory_space<hbm>>
      tpu.wait_dma2 semaphore(%run_scoped3A : memref<!tpu.dma_semaphore, #tpu.memory_space<semaphore_mem>>) src(%dma_wait3A_366 : memref<4096xf32, #tpu.memory_space<hbm>>) dst(%arg5 : memref<4096xf32, #tpu.memory_space<vmem>>)
      tpu.yield
    }) : () -> ()
    %mul3A_3 = arith.constant 512 : i32
    %mul3A_4 = arith.muli %add3A, %mul3A_3 : i32
    "tpu.region"() ({
      %run_scoped3A = tpu.sem_alloc : memref<!tpu.dma_semaphore, #tpu.memory_space<semaphore_mem>>
      %dma_start3A = tpu.memref_slice %arg3[%mul3A_4] : memref<16384xf32, #tpu.memory_space<hbm>> -> memref<512xf32, #tpu.memory_space<hbm>>
      %dma_start3A_365 = tpu.memref_slice %arg3[%mul3A_4] : memref<16384xf32, #tpu.memory_space<hbm>> -> memref<512xf32, #tpu.memory_space<hbm>>
      tpu.enqueue_dma source(%dma_start3A_365 : memref<512xf32, #tpu.memory_space<hbm>>) target(%arg6 : memref<512xf32, #tpu.memory_space<vmem>>) target_semaphore(%run_scoped3A : memref<!tpu.dma_semaphore, #tpu.memory_space<semaphore_mem>>)
      %dma_wait3A = tpu.memref_slice %arg3[%mul3A_4] : memref<16384xf32, #tpu.memory_space<hbm>> -> memref<512xf32, #tpu.memory_space<hbm>>
      %dma_wait3A_366 = tpu.memref_slice %arg3[%mul3A_4] : memref<16384xf32, #tpu.memory_space<hbm>> -> memref<512xf32, #tpu.memory_space<hbm>>
      tpu.wait_dma2 semaphore(%run_scoped3A : memref<!tpu.dma_semaphore, #tpu.memory_space<semaphore_mem>>) src(%dma_wait3A_366 : memref<512xf32, #tpu.memory_space<hbm>>) dst(%arg6 : memref<512xf32, #tpu.memory_space<vmem>>)
      tpu.yield
    }) : () -> ()
    %broadcast_in_dim3A = arith.constant 0.000000e+00 : f32
    %broadcast_in_dim3A_5 = vector.broadcast %broadcast_in_dim3A : f32 to vector<16xf32>
    %broadcast_in_dim3A_6 = arith.constant 0.000000e+00 : f32
    %broadcast_in_dim3A_7 = vector.broadcast %broadcast_in_dim3A_6 : f32 to vector<16xf32>
    %scan3A = arith.constant 0 : i32
    %scan3A_8 = arith.constant 2 : i32
    %scan3A_9 = arith.addi %scan3A, %scan3A_8 : i32
    %scan3A_10 = arith.constant 1 : i32
    %scan3A_11:2 = scf.for %scan3A_365 = %scan3A to %scan3A_9 step %scan3A_10 iter_args(%scan3A_366 = %broadcast_in_dim3A_5, %scan3A_367 = %broadcast_in_dim3A_7) -> (vector<16xf32>, vector<16xf32>)  : i32 {
      %mul3A_368 = arith.constant 4 : i32
      %mul3A_369 = arith.muli %scan3A_365, %mul3A_368 : i32
      %add3A_370 = arith.constant 0 : i32
      %add3A_371 = arith.addi %mul3A_369, %add3A_370 : i32
      %mul3A_372 = arith.constant 16 : i32
      %mul3A_373 = arith.muli %add3A_371, %mul3A_372 : i32
      %get3A = arith.index_cast %mul3A_373 : i32 to index
      %get3A_374 = tpu.vector_load %arg6[%get3A] {strides = array<i32>} : memref<512xf32, #tpu.memory_space<vmem>>, vector<16xf32>,
      %mul3A_375 = arith.mulf %get3A_374, %get3A_374 : vector<16xf32>
      %add3A_376 = arith.addf %scan3A_366, %mul3A_375 : vector<16xf32>
      %add3A_377 = arith.addf %scan3A_367, %get3A_374 : vector<16xf32>
      %mul3A_378 = arith.constant 4 : i32
      %mul3A_379 = arith.muli %scan3A_365, %mul3A_378 : i32
      %add3A_380 = arith.constant 1 : i32
      %add3A_381 = arith.addi %mul3A_379, %add3A_380 : i32
      %mul3A_382 = arith.constant 16 : i32
      %mul3A_383 = arith.muli %add3A_381, %mul3A_382 : i32
      %get3A_384 = arith.index_cast %mul3A_383 : i32 to index
      %get3A_385 = tpu.vector_load %arg6[%get3A_384] {strides = array<i32>} : memref<512xf32, #tpu.memory_space<vmem>>, vector<16xf32>,
      %mul3A_386 = arith.mulf %get3A_385, %get3A_385 : vector<16xf32>
      %add3A_387 = arith.addf %add3A_376, %mul3A_386 : vector<16xf32>
      %add3A_388 = arith.addf %add3A_377, %get3A_385 : vector<16xf32>
      %mul3A_389 = arith.constant 4 : i32
      %mul3A_390 = arith.muli %scan3A_365, %mul3A_389 : i32
      %add3A_391 = arith.constant 2 : i32
      %add3A_392 = arith.addi %mul3A_390, %add3A_391 : i32
      %mul3A_393 = arith.constant 16 : i32
      %mul3A_394 = arith.muli %add3A_392, %mul3A_393 : i32
      %get3A_395 = arith.index_cast %mul3A_394 : i32 to index
      %get3A_396 = tpu.vector_load %arg6[%get3A_395] {strides = array<i32>} : memref<512xf32, #tpu.memory_space<vmem>>, vector<16xf32>,
      %mul3A_397 = arith.mulf %get3A_396, %get3A_396 : vector<16xf32>
      %add3A_398 = arith.addf %add3A_387, %mul3A_397 : vector<16xf32>
      %add3A_399 = arith.addf %add3A_388, %get3A_396 : vector<16xf32>
      %mul3A_400 = arith.constant 4 : i32
      %mul3A_401 = arith.muli %scan3A_365, %mul3A_400 : i32
      %add3A_402 = arith.constant 3 : i32
      %add3A_403 = arith.addi %mul3A_401, %add3A_402 : i32
      %mul3A_404 = arith.constant 16 : i32
      %mul3A_405 = arith.muli %add3A_403, %mul3A_404 : i32
      %get3A_406 = arith.index_cast %mul3A_405 : i32 to index
      %get3A_407 = tpu.vector_load %arg6[%get3A_406] {strides = array<i32>} : memref<512xf32, #tpu.memory_space<vmem>>, vector<16xf32>,
      %mul3A_408 = arith.mulf %get3A_407, %get3A_407 : vector<16xf32>
      %add3A_409 = arith.addf %add3A_398, %mul3A_408 : vector<16xf32>
      %add3A_410 = arith.addf %add3A_399, %get3A_407 : vector<16xf32>
      scf.yield %add3A_409, %add3A_410 : vector<16xf32>, vector<16xf32>
    }
    %scan3A_12 = arith.constant 2 : i32
    %reduce_sum3A = arith.constant true
    %reduce_sum3A_13 = vector.broadcast %reduce_sum3A : i1 to vector<16xi1>
    %reduce_sum3A_14 = tpu.scan <sum>, %scan3A_11#0 masked %reduce_sum3A_13 : vector<16xf32>, vector<16xi1> -> vector<16xf32>
    %reduce_sum3A_15 = vector.extract %reduce_sum3A_14[15] : f32 from vector<16xf32>
    %reduce_sum3A_16 = arith.constant true
    %reduce_sum3A_17 = vector.broadcast %reduce_sum3A_16 : i1 to vector<16xi1>
    %reduce_sum3A_18 = tpu.scan <sum>, %scan3A_11#1 masked %reduce_sum3A_17 : vector<16xf32>, vector<16xi1> -> vector<16xf32>
    %reduce_sum3A_19 = vector.extract %reduce_sum3A_18[15] : f32 from vector<16xf32>
    %bitcast_convert_type3A = arith.bitcast %reduce_sum3A_15 : f32 to i32
    %shift_right_arithmetic3A = arith.constant 1 : i32
    %shift_right_arithmetic3A_20 = arith.shrsi %bitcast_convert_type3A, %shift_right_arithmetic3A : i32
    %sub3A = arith.constant 1597463007 : i32
    %sub3A_21 = arith.subi %sub3A, %shift_right_arithmetic3A_20 : i32
    %bitcast_convert_type3A_22 = arith.bitcast %sub3A_21 : i32 to f32
    %mul3A_23 = arith.constant 5.000000e-01 : f32
    %mul3A_24 = arith.mulf %mul3A_23, %reduce_sum3A_15 : f32
    %mul3A_25 = arith.mulf %mul3A_24, %bitcast_convert_type3A_22 : f32
    %mul3A_26 = arith.mulf %mul3A_25, %bitcast_convert_type3A_22 : f32
    %sub3A_27 = arith.constant 1.500000e+00 : f32
    %sub3A_28 = arith.subf %sub3A_27, %mul3A_26 : f32
    %mul3A_29 = arith.mulf %bitcast_convert_type3A_22, %sub3A_28 : f32
    %mul3A_30 = arith.constant 5.000000e-01 : f32
    %mul3A_31 = arith.mulf %mul3A_30, %reduce_sum3A_15 : f32
    %mul3A_32 = arith.mulf %mul3A_31, %mul3A_29 : f32
    %mul3A_33 = arith.mulf %mul3A_32, %mul3A_29 : f32
    %sub3A_34 = arith.constant 1.500000e+00 : f32
    %sub3A_35 = arith.subf %sub3A_34, %mul3A_33 : f32
    %mul3A_36 = arith.mulf %mul3A_29, %sub3A_35 : f32
    %mul3A_37 = arith.constant 5.000000e-01 : f32
    %mul3A_38 = arith.mulf %mul3A_37, %reduce_sum3A_15 : f32
    %mul3A_39 = arith.mulf %mul3A_38, %mul3A_36 : f32
    %mul3A_40 = arith.mulf %mul3A_39, %mul3A_36 : f32
    %sub3A_41 = arith.constant 1.500000e+00 : f32
    %sub3A_42 = arith.subf %sub3A_41, %mul3A_40 : f32
    %mul3A_43 = arith.mulf %mul3A_36, %sub3A_42 : f32
    %broadcast_in_dim3A_44 = arith.constant 0.000000e+00 : f32
    %broadcast_in_dim3A_45 = vector.broadcast %broadcast_in_dim3A_44 : f32 to vector<16xf32>
    %broadcast_in_dim3A_46 = arith.constant 0.000000e+00 : f32
    %broadcast_in_dim3A_47 = vector.broadcast %broadcast_in_dim3A_46 : f32 to vector<16xf32>
    %scan3A_48 = arith.constant 0 : i32
    %scan3A_49 = arith.constant 16 : i32
    %scan3A_50 = arith.addi %scan3A_48, %scan3A_49 : i32
    %scan3A_51 = arith.constant 1 : i32
    %scan3A_52:2 = scf.for %scan3A_365 = %scan3A_48 to %scan3A_50 step %scan3A_51 iter_args(%scan3A_366 = %broadcast_in_dim3A_45, %scan3A_367 = %broadcast_in_dim3A_47) -> (vector<16xf32>, vector<16xf32>)  : i32 {
      %mul3A_368 = arith.constant 4 : i32
      %mul3A_369 = arith.muli %scan3A_365, %mul3A_368 : i32
      %add3A_370 = arith.constant 0 : i32
      %add3A_371 = arith.addi %mul3A_369, %add3A_370 : i32
      %mul3A_372 = arith.constant 16 : i32
      %mul3A_373 = arith.muli %add3A_371, %mul3A_372 : i32
      %add3A_374 = arith.constant 1024 : i32
      %add3A_375 = arith.addi %add3A_374, %mul3A_373 : i32
      %get3A = arith.index_cast %add3A_375 : i32 to index
      %get3A_376 = tpu.vector_load %arg5[%get3A] {strides = array<i32>} : memref<4096xf32, #tpu.memory_space<vmem>>, vector<16xf32>,
      %get3A_377 = arith.index_cast %mul3A_373 : i32 to index
      %get3A_378 = tpu.vector_load %arg5[%get3A_377] {strides = array<i32>} : memref<4096xf32, #tpu.memory_space<vmem>>, vector<16xf32>,
      %sub3A_379 = arith.subf %get3A_376, %get3A_378 : vector<16xf32>
      %mul3A_380 = arith.mulf %sub3A_379, %sub3A_379 : vector<16xf32>
      %add3A_381 = arith.addf %scan3A_366, %mul3A_380 : vector<16xf32>
      %abs3A = math.absf %sub3A_379 : vector<16xf32>
      %max3A_382 = arith.maximumf %scan3A_367, %abs3A : vector<16xf32>
      %mul3A_383 = arith.constant 4 : i32
      %mul3A_384 = arith.muli %scan3A_365, %mul3A_383 : i32
      %add3A_385 = arith.constant 1 : i32
      %add3A_386 = arith.addi %mul3A_384, %add3A_385 : i32
      %mul3A_387 = arith.constant 16 : i32
      %mul3A_388 = arith.muli %add3A_386, %mul3A_387 : i32
      %add3A_389 = arith.constant 1024 : i32
      %add3A_390 = arith.addi %add3A_389, %mul3A_388 : i32
      %get3A_391 = arith.index_cast %add3A_390 : i32 to index
      %get3A_392 = tpu.vector_load %arg5[%get3A_391] {strides = array<i32>} : memref<4096xf32, #tpu.memory_space<vmem>>, vector<16xf32>,
      %get3A_393 = arith.index_cast %mul3A_388 : i32 to index
      %get3A_394 = tpu.vector_load %arg5[%get3A_393] {strides = array<i32>} : memref<4096xf32, #tpu.memory_space<vmem>>, vector<16xf32>,
      %sub3A_395 = arith.subf %get3A_392, %get3A_394 : vector<16xf32>
      %mul3A_396 = arith.mulf %sub3A_395, %sub3A_395 : vector<16xf32>
      %add3A_397 = arith.addf %add3A_381, %mul3A_396 : vector<16xf32>
      %abs3A_398 = math.absf %sub3A_395 : vector<16xf32>
      %max3A_399 = arith.maximumf %max3A_382, %abs3A_398 : vector<16xf32>
      %mul3A_400 = arith.constant 4 : i32
      %mul3A_401 = arith.muli %scan3A_365, %mul3A_400 : i32
      %add3A_402 = arith.constant 2 : i32
      %add3A_403 = arith.addi %mul3A_401, %add3A_402 : i32
      %mul3A_404 = arith.constant 16 : i32
      %mul3A_405 = arith.muli %add3A_403, %mul3A_404 : i32
      %add3A_406 = arith.constant 1024 : i32
      %add3A_407 = arith.addi %add3A_406, %mul3A_405 : i32
      %get3A_408 = arith.index_cast %add3A_407 : i32 to index
      %get3A_409 = tpu.vector_load %arg5[%get3A_408] {strides = array<i32>} : memref<4096xf32, #tpu.memory_space<vmem>>, vector<16xf32>,
      %get3A_410 = arith.index_cast %mul3A_405 : i32 to index
      %get3A_411 = tpu.vector_load %arg5[%get3A_410] {strides = array<i32>} : memref<4096xf32, #tpu.memory_space<vmem>>, vector<16xf32>,
      %sub3A_412 = arith.subf %get3A_409, %get3A_411 : vector<16xf32>
      %mul3A_413 = arith.mulf %sub3A_412, %sub3A_412 : vector<16xf32>
      %add3A_414 = arith.addf %add3A_397, %mul3A_413 : vector<16xf32>
      %abs3A_415 = math.absf %sub3A_412 : vector<16xf32>
      %max3A_416 = arith.maximumf %max3A_399, %abs3A_415 : vector<16xf32>
      %mul3A_417 = arith.constant 4 : i32
      %mul3A_418 = arith.muli %scan3A_365, %mul3A_417 : i32
      %add3A_419 = arith.constant 3 : i32
      %add3A_420 = arith.addi %mul3A_418, %add3A_419 : i32
      %mul3A_421 = arith.constant 16 : i32
      %mul3A_422 = arith.muli %add3A_420, %mul3A_421 : i32
      %add3A_423 = arith.constant 1024 : i32
      %add3A_424 = arith.addi %add3A_423, %mul3A_422 : i32
      %get3A_425 = arith.index_cast %add3A_424 : i32 to index
      %get3A_426 = tpu.vector_load %arg5[%get3A_425] {strides = array<i32>} : memref<4096xf32, #tpu.memory_space<vmem>>, vector<16xf32>,
      %get3A_427 = arith.index_cast %mul3A_422 : i32 to index
      %get3A_428 = tpu.vector_load %arg5[%get3A_427] {strides = array<i32>} : memref<4096xf32, #tpu.memory_space<vmem>>, vector<16xf32>,
      %sub3A_429 = arith.subf %get3A_426, %get3A_428 : vector<16xf32>
      %mul3A_430 = arith.mulf %sub3A_429, %sub3A_429 : vector<16xf32>
      %add3A_431 = arith.addf %add3A_414, %mul3A_430 : vector<16xf32>
      %abs3A_432 = math.absf %sub3A_429 : vector<16xf32>
      %max3A_433 = arith.maximumf %max3A_416, %abs3A_432 : vector<16xf32>
      scf.yield %add3A_431, %max3A_433 : vector<16xf32>, vector<16xf32>
    }
    %scan3A_53 = arith.constant 16 : i32
    %reduce_sum3A_54 = arith.constant true
    %reduce_sum3A_55 = vector.broadcast %reduce_sum3A_54 : i1 to vector<16xi1>
    %reduce_sum3A_56 = tpu.scan <sum>, %scan3A_52#0 masked %reduce_sum3A_55 : vector<16xf32>, vector<16xi1> -> vector<16xf32>
    %reduce_sum3A_57 = vector.extract %reduce_sum3A_56[15] : f32 from vector<16xf32>
    %reduce_max3A = arith.constant true
    %reduce_max3A_58 = vector.broadcast %reduce_max3A : i1 to vector<16xi1>
    %reduce_max3A_59 = tpu.scan <max>, %scan3A_52#1 masked %reduce_max3A_58 : vector<16xf32>, vector<16xi1> -> vector<16xf32>
    %reduce_max3A_60 = vector.extract %reduce_max3A_59[15] : f32 from vector<16xf32>
    %eq3A = arith.constant 0.000000e+00 : f32
    %eq3A_61 = arith.cmpf oeq, %reduce_max3A_60, %eq3A : f32
    %broadcast_in_dim3A_62 = arith.constant 0.000000e+00 : f32
    %broadcast_in_dim3A_63 = vector.broadcast %broadcast_in_dim3A_62 : f32 to vector<16xf32>
    %broadcast_in_dim3A_64 = arith.constant 0.000000e+00 : f32
    %broadcast_in_dim3A_65 = vector.broadcast %broadcast_in_dim3A_64 : f32 to vector<16xf32>
    %scan3A_66 = arith.constant 0 : i32
    %scan3A_67 = arith.constant 2 : i32
    %scan3A_68 = arith.addi %scan3A_66, %scan3A_67 : i32
    %scan3A_69 = arith.constant 1 : i32
    %scan3A_70:2 = scf.for %scan3A_365 = %scan3A_66 to %scan3A_68 step %scan3A_69 iter_args(%scan3A_366 = %broadcast_in_dim3A_63, %scan3A_367 = %broadcast_in_dim3A_65) -> (vector<16xf32>, vector<16xf32>)  : i32 {
      %mul3A_368 = arith.constant 4 : i32
      %mul3A_369 = arith.muli %scan3A_365, %mul3A_368 : i32
      %add3A_370 = arith.constant 0 : i32
      %add3A_371 = arith.addi %mul3A_369, %add3A_370 : i32
      %mul3A_372 = arith.constant 16 : i32
      %mul3A_373 = arith.muli %add3A_371, %mul3A_372 : i32
      %get3A = arith.index_cast %mul3A_373 : i32 to index
      %get3A_374 = tpu.vector_load %arg6[%get3A] {strides = array<i32>} : memref<512xf32, #tpu.memory_space<vmem>>, vector<16xf32>,
      %add3A_375 = arith.constant 128 : i32
      %add3A_376 = arith.addi %add3A_375, %mul3A_373 : i32
      %get3A_377 = arith.index_cast %add3A_376 : i32 to index
      %get3A_378 = tpu.vector_load %arg6[%get3A_377] {strides = array<i32>} : memref<512xf32, #tpu.memory_space<vmem>>, vector<16xf32>,
      %mul3A_379 = arith.mulf %get3A_378, %get3A_378 : vector<16xf32>
      %add3A_380 = arith.addf %scan3A_366, %mul3A_379 : vector<16xf32>
      %mul3A_381 = arith.mulf %get3A_374, %get3A_378 : vector<16xf32>
      %add3A_382 = arith.addf %scan3A_367, %mul3A_381 : vector<16xf32>
      %mul3A_383 = arith.constant 4 : i32
      %mul3A_384 = arith.muli %scan3A_365, %mul3A_383 : i32
      %add3A_385 = arith.constant 1 : i32
      %add3A_386 = arith.addi %mul3A_384, %add3A_385 : i32
      %mul3A_387 = arith.constant 16 : i32
      %mul3A_388 = arith.muli %add3A_386, %mul3A_387 : i32
      %get3A_389 = arith.index_cast %mul3A_388 : i32 to index
      %get3A_390 = tpu.vector_load %arg6[%get3A_389] {strides = array<i32>} : memref<512xf32, #tpu.memory_space<vmem>>, vector<16xf32>,
      %add3A_391 = arith.constant 128 : i32
      %add3A_392 = arith.addi %add3A_391, %mul3A_388 : i32
      %get3A_393 = arith.index_cast %add3A_392 : i32 to index
      %get3A_394 = tpu.vector_load %arg6[%get3A_393] {strides = array<i32>} : memref<512xf32, #tpu.memory_space<vmem>>, vector<16xf32>,
      %mul3A_395 = arith.mulf %get3A_394, %get3A_394 : vector<16xf32>
      %add3A_396 = arith.addf %add3A_380, %mul3A_395 : vector<16xf32>
      %mul3A_397 = arith.mulf %get3A_390, %get3A_394 : vector<16xf32>
      %add3A_398 = arith.addf %add3A_382, %mul3A_397 : vector<16xf32>
      %mul3A_399 = arith.constant 4 : i32
      %mul3A_400 = arith.muli %scan3A_365, %mul3A_399 : i32
      %add3A_401 = arith.constant 2 : i32
      %add3A_402 = arith.addi %mul3A_400, %add3A_401 : i32
      %mul3A_403 = arith.constant 16 : i32
      %mul3A_404 = arith.muli %add3A_402, %mul3A_403 : i32
      %get3A_405 = arith.index_cast %mul3A_404 : i32 to index
      %get3A_406 = tpu.vector_load %arg6[%get3A_405] {strides = array<i32>} : memref<512xf32, #tpu.memory_space<vmem>>, vector<16xf32>,
      %add3A_407 = arith.constant 128 : i32
      %add3A_408 = arith.addi %add3A_407, %mul3A_404 : i32
      %get3A_409 = arith.index_cast %add3A_408 : i32 to index
      %get3A_410 = tpu.vector_load %arg6[%get3A_409] {strides = array<i32>} : memref<512xf32, #tpu.memory_space<vmem>>, vector<16xf32>,
      %mul3A_411 = arith.mulf %get3A_410, %get3A_410 : vector<16xf32>
      %add3A_412 = arith.addf %add3A_396, %mul3A_411 : vector<16xf32>
      %mul3A_413 = arith.mulf %get3A_406, %get3A_410 : vector<16xf32>
      %add3A_414 = arith.addf %add3A_398, %mul3A_413 : vector<16xf32>
      %mul3A_415 = arith.constant 4 : i32
      %mul3A_416 = arith.muli %scan3A_365, %mul3A_415 : i32
      %add3A_417 = arith.constant 3 : i32
      %add3A_418 = arith.addi %mul3A_416, %add3A_417 : i32
      %mul3A_419 = arith.constant 16 : i32
      %mul3A_420 = arith.muli %add3A_418, %mul3A_419 : i32
      %get3A_421 = arith.index_cast %mul3A_420 : i32 to index
      %get3A_422 = tpu.vector_load %arg6[%get3A_421] {strides = array<i32>} : memref<512xf32, #tpu.memory_space<vmem>>, vector<16xf32>,
      %add3A_423 = arith.constant 128 : i32
      %add3A_424 = arith.addi %add3A_423, %mul3A_420 : i32
      %get3A_425 = arith.index_cast %add3A_424 : i32 to index
      %get3A_426 = tpu.vector_load %arg6[%get3A_425] {strides = array<i32>} : memref<512xf32, #tpu.memory_space<vmem>>, vector<16xf32>,
      %mul3A_427 = arith.mulf %get3A_426, %get3A_426 : vector<16xf32>
      %add3A_428 = arith.addf %add3A_412, %mul3A_427 : vector<16xf32>
      %mul3A_429 = arith.mulf %get3A_422, %get3A_426 : vector<16xf32>
      %add3A_430 = arith.addf %add3A_414, %mul3A_429 : vector<16xf32>
      scf.yield %add3A_428, %add3A_430 : vector<16xf32>, vector<16xf32>
    }
    %scan3A_71 = arith.constant 2 : i32
    %reduce_sum3A_72 = arith.constant true
    %reduce_sum3A_73 = vector.broadcast %reduce_sum3A_72 : i1 to vector<16xi1>
    %reduce_sum3A_74 = tpu.scan <sum>, %scan3A_70#1 masked %reduce_sum3A_73 : vector<16xf32>, vector<16xi1> -> vector<16xf32>
    %reduce_sum3A_75 = vector.extract %reduce_sum3A_74[15] : f32 from vector<16xf32>
    %mul3A_76 = arith.mulf %reduce_sum3A_75, %mul3A_43 : f32
    %reduce_sum3A_77 = arith.constant true
    %reduce_sum3A_78 = vector.broadcast %reduce_sum3A_77 : i1 to vector<16xi1>
    %reduce_sum3A_79 = tpu.scan <sum>, %scan3A_70#0 masked %reduce_sum3A_78 : vector<16xf32>, vector<16xi1> -> vector<16xf32>
    %reduce_sum3A_80 = vector.extract %reduce_sum3A_79[15] : f32 from vector<16xf32>
    %bitcast_convert_type3A_81 = arith.bitcast %reduce_sum3A_80 : f32 to i32
    %shift_right_arithmetic3A_82 = arith.constant 1 : i32
    %shift_right_arithmetic3A_83 = arith.shrsi %bitcast_convert_type3A_81, %shift_right_arithmetic3A_82 : i32
    %sub3A_84 = arith.constant 1597463007 : i32
    %sub3A_85 = arith.subi %sub3A_84, %shift_right_arithmetic3A_83 : i32
    %bitcast_convert_type3A_86 = arith.bitcast %sub3A_85 : i32 to f32
    %mul3A_87 = arith.constant 5.000000e-01 : f32
    %mul3A_88 = arith.mulf %mul3A_87, %reduce_sum3A_80 : f32
    %mul3A_89 = arith.mulf %mul3A_88, %bitcast_convert_type3A_86 : f32
    %mul3A_90 = arith.mulf %mul3A_89, %bitcast_convert_type3A_86 : f32
    %sub3A_91 = arith.constant 1.500000e+00 : f32
    %sub3A_92 = arith.subf %sub3A_91, %mul3A_90 : f32
    %mul3A_93 = arith.mulf %bitcast_convert_type3A_86, %sub3A_92 : f32
    %mul3A_94 = arith.constant 5.000000e-01 : f32
    %mul3A_95 = arith.mulf %mul3A_94, %reduce_sum3A_80 : f32
    %mul3A_96 = arith.mulf %mul3A_95, %mul3A_93 : f32
    %mul3A_97 = arith.mulf %mul3A_96, %mul3A_93 : f32
    %sub3A_98 = arith.constant 1.500000e+00 : f32
    %sub3A_99 = arith.subf %sub3A_98, %mul3A_97 : f32
    %mul3A_100 = arith.mulf %mul3A_93, %sub3A_99 : f32
    %mul3A_101 = arith.constant 5.000000e-01 : f32
    %mul3A_102 = arith.mulf %mul3A_101, %reduce_sum3A_80 : f32
    %mul3A_103 = arith.mulf %mul3A_102, %mul3A_100 : f32
    %mul3A_104 = arith.mulf %mul3A_103, %mul3A_100 : f32
    %sub3A_105 = arith.constant 1.500000e+00 : f32
    %sub3A_106 = arith.subf %sub3A_105, %mul3A_104 : f32
    %mul3A_107 = arith.mulf %mul3A_100, %sub3A_106 : f32
    %mul3A_108 = arith.mulf %mul3A_76, %mul3A_107 : f32
    %sub3A_109 = arith.constant 1.000000e+00 : f32
    %sub3A_110 = arith.subf %sub3A_109, %mul3A_108 : f32
    %bitcast_convert_type3A_111 = arith.bitcast %reduce_sum3A_57 : f32 to i32
    %shift_right_arithmetic3A_112 = arith.constant 1 : i32
    %shift_right_arithmetic3A_113 = arith.shrsi %bitcast_convert_type3A_111, %shift_right_arithmetic3A_112 : i32
    %sub3A_114 = arith.constant 1597463007 : i32
    %sub3A_115 = arith.subi %sub3A_114, %shift_right_arithmetic3A_113 : i32
    %bitcast_convert_type3A_116 = arith.bitcast %sub3A_115 : i32 to f32
    %mul3A_117 = arith.constant 5.000000e-01 : f32
    %mul3A_118 = arith.mulf %mul3A_117, %reduce_sum3A_57 : f32
    %mul3A_119 = arith.mulf %mul3A_118, %bitcast_convert_type3A_116 : f32
    %mul3A_120 = arith.mulf %mul3A_119, %bitcast_convert_type3A_116 : f32
    %sub3A_121 = arith.constant 1.500000e+00 : f32
    %sub3A_122 = arith.subf %sub3A_121, %mul3A_120 : f32
    %mul3A_123 = arith.mulf %bitcast_convert_type3A_116, %sub3A_122 : f32
    %mul3A_124 = arith.constant 5.000000e-01 : f32
    %mul3A_125 = arith.mulf %mul3A_124, %reduce_sum3A_57 : f32
    %mul3A_126 = arith.mulf %mul3A_125, %mul3A_123 : f32
    %mul3A_127 = arith.mulf %mul3A_126, %mul3A_123 : f32
    %sub3A_128 = arith.constant 1.500000e+00 : f32
    %sub3A_129 = arith.subf %sub3A_128, %mul3A_127 : f32
    %mul3A_130 = arith.mulf %mul3A_123, %sub3A_129 : f32
    %mul3A_131 = arith.constant 5.000000e-01 : f32
    %mul3A_132 = arith.mulf %mul3A_131, %reduce_sum3A_57 : f32
    %mul3A_133 = arith.mulf %mul3A_132, %mul3A_130 : f32
    %mul3A_134 = arith.mulf %mul3A_133, %mul3A_130 : f32
    %sub3A_135 = arith.constant 1.500000e+00 : f32
    %sub3A_136 = arith.subf %sub3A_135, %mul3A_134 : f32
    %mul3A_137 = arith.mulf %mul3A_130, %sub3A_136 : f32
    %mul3A_138 = arith.mulf %sub3A_110, %mul3A_137 : f32
    %sub3A_139 = arith.constant 5.000000e-02 : f32
    %sub3A_140 = arith.subf %mul3A_138, %sub3A_139 : f32
    %max3A = arith.constant 0.000000e+00 : f32
    %max3A_141 = arith.maximumf %sub3A_140, %max3A : f32
    %jit3A = arith.constant 0.000000e+00 : f32
    %select_n3A = arith.select %eq3A_61, %jit3A, %max3A_141 : f32
    %add3A_142 = arith.constant 0.000000e+00 : f32
    %add3A_143 = arith.addf %add3A_142, %select_n3A : f32
    %broadcast_in_dim3A_144 = arith.constant 0.000000e+00 : f32
    %broadcast_in_dim3A_145 = vector.broadcast %broadcast_in_dim3A_144 : f32 to vector<16xf32>
    %broadcast_in_dim3A_146 = arith.constant 0.000000e+00 : f32
    %broadcast_in_dim3A_147 = vector.broadcast %broadcast_in_dim3A_146 : f32 to vector<16xf32>
    %scan3A_148 = arith.constant 0 : i32
    %scan3A_149 = arith.constant 16 : i32
    %scan3A_150 = arith.addi %scan3A_148, %scan3A_149 : i32
    %scan3A_151 = arith.constant 1 : i32
    %scan3A_152:2 = scf.for %scan3A_365 = %scan3A_148 to %scan3A_150 step %scan3A_151 iter_args(%scan3A_366 = %broadcast_in_dim3A_145, %scan3A_367 = %broadcast_in_dim3A_147) -> (vector<16xf32>, vector<16xf32>)  : i32 {
      %mul3A_368 = arith.constant 4 : i32
      %mul3A_369 = arith.muli %scan3A_365, %mul3A_368 : i32
      %add3A_370 = arith.constant 0 : i32
      %add3A_371 = arith.addi %mul3A_369, %add3A_370 : i32
      %mul3A_372 = arith.constant 16 : i32
      %mul3A_373 = arith.muli %add3A_371, %mul3A_372 : i32
      %add3A_374 = arith.constant 2048 : i32
      %add3A_375 = arith.addi %add3A_374, %mul3A_373 : i32
      %get3A = arith.index_cast %add3A_375 : i32 to index
      %get3A_376 = tpu.vector_load %arg5[%get3A] {strides = array<i32>} : memref<4096xf32, #tpu.memory_space<vmem>>, vector<16xf32>,
      %get3A_377 = arith.index_cast %mul3A_373 : i32 to index
      %get3A_378 = tpu.vector_load %arg5[%get3A_377] {strides = array<i32>} : memref<4096xf32, #tpu.memory_space<vmem>>, vector<16xf32>,
      %sub3A_379 = arith.subf %get3A_376, %get3A_378 : vector<16xf32>
      %mul3A_380 = arith.mulf %sub3A_379, %sub3A_379 : vector<16xf32>
      %add3A_381 = arith.addf %scan3A_366, %mul3A_380 : vector<16xf32>
      %abs3A = math.absf %sub3A_379 : vector<16xf32>
      %max3A_382 = arith.maximumf %scan3A_367, %abs3A : vector<16xf32>
      %mul3A_383 = arith.constant 4 : i32
      %mul3A_384 = arith.muli %scan3A_365, %mul3A_383 : i32
      %add3A_385 = arith.constant 1 : i32
      %add3A_386 = arith.addi %mul3A_384, %add3A_385 : i32
      %mul3A_387 = arith.constant 16 : i32
      %mul3A_388 = arith.muli %add3A_386, %mul3A_387 : i32
      %add3A_389 = arith.constant 2048 : i32
      %add3A_390 = arith.addi %add3A_389, %mul3A_388 : i32
      %get3A_391 = arith.index_cast %add3A_390 : i32 to index
      %get3A_392 = tpu.vector_load %arg5[%get3A_391] {strides = array<i32>} : memref<4096xf32, #tpu.memory_space<vmem>>, vector<16xf32>,
      %get3A_393 = arith.index_cast %mul3A_388 : i32 to index
      %get3A_394 = tpu.vector_load %arg5[%get3A_393] {strides = array<i32>} : memref<4096xf32, #tpu.memory_space<vmem>>, vector<16xf32>,
      %sub3A_395 = arith.subf %get3A_392, %get3A_394 : vector<16xf32>
      %mul3A_396 = arith.mulf %sub3A_395, %sub3A_395 : vector<16xf32>
      %add3A_397 = arith.addf %add3A_381, %mul3A_396 : vector<16xf32>
      %abs3A_398 = math.absf %sub3A_395 : vector<16xf32>
      %max3A_399 = arith.maximumf %max3A_382, %abs3A_398 : vector<16xf32>
      %mul3A_400 = arith.constant 4 : i32
      %mul3A_401 = arith.muli %scan3A_365, %mul3A_400 : i32
      %add3A_402 = arith.constant 2 : i32
      %add3A_403 = arith.addi %mul3A_401, %add3A_402 : i32
      %mul3A_404 = arith.constant 16 : i32
      %mul3A_405 = arith.muli %add3A_403, %mul3A_404 : i32
      %add3A_406 = arith.constant 2048 : i32
      %add3A_407 = arith.addi %add3A_406, %mul3A_405 : i32
      %get3A_408 = arith.index_cast %add3A_407 : i32 to index
      %get3A_409 = tpu.vector_load %arg5[%get3A_408] {strides = array<i32>} : memref<4096xf32, #tpu.memory_space<vmem>>, vector<16xf32>,
      %get3A_410 = arith.index_cast %mul3A_405 : i32 to index
      %get3A_411 = tpu.vector_load %arg5[%get3A_410] {strides = array<i32>} : memref<4096xf32, #tpu.memory_space<vmem>>, vector<16xf32>,
      %sub3A_412 = arith.subf %get3A_409, %get3A_411 : vector<16xf32>
      %mul3A_413 = arith.mulf %sub3A_412, %sub3A_412 : vector<16xf32>
      %add3A_414 = arith.addf %add3A_397, %mul3A_413 : vector<16xf32>
      %abs3A_415 = math.absf %sub3A_412 : vector<16xf32>
      %max3A_416 = arith.maximumf %max3A_399, %abs3A_415 : vector<16xf32>
      %mul3A_417 = arith.constant 4 : i32
      %mul3A_418 = arith.muli %scan3A_365, %mul3A_417 : i32
      %add3A_419 = arith.constant 3 : i32
      %add3A_420 = arith.addi %mul3A_418, %add3A_419 : i32
      %mul3A_421 = arith.constant 16 : i32
      %mul3A_422 = arith.muli %add3A_420, %mul3A_421 : i32
      %add3A_423 = arith.constant 2048 : i32
      %add3A_424 = arith.addi %add3A_423, %mul3A_422 : i32
      %get3A_425 = arith.index_cast %add3A_424 : i32 to index
      %get3A_426 = tpu.vector_load %arg5[%get3A_425] {strides = array<i32>} : memref<4096xf32, #tpu.memory_space<vmem>>, vector<16xf32>,
      %get3A_427 = arith.index_cast %mul3A_422 : i32 to index
      %get3A_428 = tpu.vector_load %arg5[%get3A_427] {strides = array<i32>} : memref<4096xf32, #tpu.memory_space<vmem>>, vector<16xf32>,
      %sub3A_429 = arith.subf %get3A_426, %get3A_428 : vector<16xf32>
      %mul3A_430 = arith.mulf %sub3A_429, %sub3A_429 : vector<16xf32>
      %add3A_431 = arith.addf %add3A_414, %mul3A_430 : vector<16xf32>
      %abs3A_432 = math.absf %sub3A_429 : vector<16xf32>
      %max3A_433 = arith.maximumf %max3A_416, %abs3A_432 : vector<16xf32>
      scf.yield %add3A_431, %max3A_433 : vector<16xf32>, vector<16xf32>
    }
    %scan3A_153 = arith.constant 16 : i32
    %reduce_sum3A_154 = arith.constant true
    %reduce_sum3A_155 = vector.broadcast %reduce_sum3A_154 : i1 to vector<16xi1>
    %reduce_sum3A_156 = tpu.scan <sum>, %scan3A_152#0 masked %reduce_sum3A_155 : vector<16xf32>, vector<16xi1> -> vector<16xf32>
    %reduce_sum3A_157 = vector.extract %reduce_sum3A_156[15] : f32 from vector<16xf32>
    %reduce_max3A_158 = arith.constant true
    %reduce_max3A_159 = vector.broadcast %reduce_max3A_158 : i1 to vector<16xi1>
    %reduce_max3A_160 = tpu.scan <max>, %scan3A_152#1 masked %reduce_max3A_159 : vector<16xf32>, vector<16xi1> -> vector<16xf32>
    %reduce_max3A_161 = vector.extract %reduce_max3A_160[15] : f32 from vector<16xf32>
    %eq3A_162 = arith.constant 0.000000e+00 : f32
    %eq3A_163 = arith.cmpf oeq, %reduce_max3A_161, %eq3A_162 : f32
    %broadcast_in_dim3A_164 = arith.constant 0.000000e+00 : f32
    %broadcast_in_dim3A_165 = vector.broadcast %broadcast_in_dim3A_164 : f32 to vector<16xf32>
    %broadcast_in_dim3A_166 = arith.constant 0.000000e+00 : f32
    %broadcast_in_dim3A_167 = vector.broadcast %broadcast_in_dim3A_166 : f32 to vector<16xf32>
    %scan3A_168 = arith.constant 0 : i32
    %scan3A_169 = arith.constant 2 : i32
    %scan3A_170 = arith.addi %scan3A_168, %scan3A_169 : i32
    %scan3A_171 = arith.constant 1 : i32
    %scan3A_172:2 = scf.for %scan3A_365 = %scan3A_168 to %scan3A_170 step %scan3A_171 iter_args(%scan3A_366 = %broadcast_in_dim3A_165, %scan3A_367 = %broadcast_in_dim3A_167) -> (vector<16xf32>, vector<16xf32>)  : i32 {
      %mul3A_368 = arith.constant 4 : i32
      %mul3A_369 = arith.muli %scan3A_365, %mul3A_368 : i32
      %add3A_370 = arith.constant 0 : i32
      %add3A_371 = arith.addi %mul3A_369, %add3A_370 : i32
      %mul3A_372 = arith.constant 16 : i32
      %mul3A_373 = arith.muli %add3A_371, %mul3A_372 : i32
      %get3A = arith.index_cast %mul3A_373 : i32 to index
      %get3A_374 = tpu.vector_load %arg6[%get3A] {strides = array<i32>} : memref<512xf32, #tpu.memory_space<vmem>>, vector<16xf32>,
      %add3A_375 = arith.constant 256 : i32
      %add3A_376 = arith.addi %add3A_375, %mul3A_373 : i32
      %get3A_377 = arith.index_cast %add3A_376 : i32 to index
      %get3A_378 = tpu.vector_load %arg6[%get3A_377] {strides = array<i32>} : memref<512xf32, #tpu.memory_space<vmem>>, vector<16xf32>,
      %mul3A_379 = arith.mulf %get3A_378, %get3A_378 : vector<16xf32>
      %add3A_380 = arith.addf %scan3A_366, %mul3A_379 : vector<16xf32>
      %mul3A_381 = arith.mulf %get3A_374, %get3A_378 : vector<16xf32>
      %add3A_382 = arith.addf %scan3A_367, %mul3A_381 : vector<16xf32>
      %mul3A_383 = arith.constant 4 : i32
      %mul3A_384 = arith.muli %scan3A_365, %mul3A_383 : i32
      %add3A_385 = arith.constant 1 : i32
      %add3A_386 = arith.addi %mul3A_384, %add3A_385 : i32
      %mul3A_387 = arith.constant 16 : i32
      %mul3A_388 = arith.muli %add3A_386, %mul3A_387 : i32
      %get3A_389 = arith.index_cast %mul3A_388 : i32 to index
      %get3A_390 = tpu.vector_load %arg6[%get3A_389] {strides = array<i32>} : memref<512xf32, #tpu.memory_space<vmem>>, vector<16xf32>,
      %add3A_391 = arith.constant 256 : i32
      %add3A_392 = arith.addi %add3A_391, %mul3A_388 : i32
      %get3A_393 = arith.index_cast %add3A_392 : i32 to index
      %get3A_394 = tpu.vector_load %arg6[%get3A_393] {strides = array<i32>} : memref<512xf32, #tpu.memory_space<vmem>>, vector<16xf32>,
      %mul3A_395 = arith.mulf %get3A_394, %get3A_394 : vector<16xf32>
      %add3A_396 = arith.addf %add3A_380, %mul3A_395 : vector<16xf32>
      %mul3A_397 = arith.mulf %get3A_390, %get3A_394 : vector<16xf32>
      %add3A_398 = arith.addf %add3A_382, %mul3A_397 : vector<16xf32>
      %mul3A_399 = arith.constant 4 : i32
      %mul3A_400 = arith.muli %scan3A_365, %mul3A_399 : i32
      %add3A_401 = arith.constant 2 : i32
      %add3A_402 = arith.addi %mul3A_400, %add3A_401 : i32
      %mul3A_403 = arith.constant 16 : i32
      %mul3A_404 = arith.muli %add3A_402, %mul3A_403 : i32
      %get3A_405 = arith.index_cast %mul3A_404 : i32 to index
      %get3A_406 = tpu.vector_load %arg6[%get3A_405] {strides = array<i32>} : memref<512xf32, #tpu.memory_space<vmem>>, vector<16xf32>,
      %add3A_407 = arith.constant 256 : i32
      %add3A_408 = arith.addi %add3A_407, %mul3A_404 : i32
      %get3A_409 = arith.index_cast %add3A_408 : i32 to index
      %get3A_410 = tpu.vector_load %arg6[%get3A_409] {strides = array<i32>} : memref<512xf32, #tpu.memory_space<vmem>>, vector<16xf32>,
      %mul3A_411 = arith.mulf %get3A_410, %get3A_410 : vector<16xf32>
      %add3A_412 = arith.addf %add3A_396, %mul3A_411 : vector<16xf32>
      %mul3A_413 = arith.mulf %get3A_406, %get3A_410 : vector<16xf32>
      %add3A_414 = arith.addf %add3A_398, %mul3A_413 : vector<16xf32>
      %mul3A_415 = arith.constant 4 : i32
      %mul3A_416 = arith.muli %scan3A_365, %mul3A_415 : i32
      %add3A_417 = arith.constant 3 : i32
      %add3A_418 = arith.addi %mul3A_416, %add3A_417 : i32
      %mul3A_419 = arith.constant 16 : i32
      %mul3A_420 = arith.muli %add3A_418, %mul3A_419 : i32
      %get3A_421 = arith.index_cast %mul3A_420 : i32 to index
      %get3A_422 = tpu.vector_load %arg6[%get3A_421] {strides = array<i32>} : memref<512xf32, #tpu.memory_space<vmem>>, vector<16xf32>,
      %add3A_423 = arith.constant 256 : i32
      %add3A_424 = arith.addi %add3A_423, %mul3A_420 : i32
      %get3A_425 = arith.index_cast %add3A_424 : i32 to index
      %get3A_426 = tpu.vector_load %arg6[%get3A_425] {strides = array<i32>} : memref<512xf32, #tpu.memory_space<vmem>>, vector<16xf32>,
      %mul3A_427 = arith.mulf %get3A_426, %get3A_426 : vector<16xf32>
      %add3A_428 = arith.addf %add3A_412, %mul3A_427 : vector<16xf32>
      %mul3A_429 = arith.mulf %get3A_422, %get3A_426 : vector<16xf32>
      %add3A_430 = arith.addf %add3A_414, %mul3A_429 : vector<16xf32>
      scf.yield %add3A_428, %add3A_430 : vector<16xf32>, vector<16xf32>
    }
    %scan3A_173 = arith.constant 2 : i32
    %reduce_sum3A_174 = arith.constant true
    %reduce_sum3A_175 = vector.broadcast %reduce_sum3A_174 : i1 to vector<16xi1>
    %reduce_sum3A_176 = tpu.scan <sum>, %scan3A_172#1 masked %reduce_sum3A_175 : vector<16xf32>, vector<16xi1> -> vector<16xf32>
    %reduce_sum3A_177 = vector.extract %reduce_sum3A_176[15] : f32 from vector<16xf32>
    %mul3A_178 = arith.mulf %reduce_sum3A_177, %mul3A_43 : f32
    %reduce_sum3A_179 = arith.constant true
    %reduce_sum3A_180 = vector.broadcast %reduce_sum3A_179 : i1 to vector<16xi1>
    %reduce_sum3A_181 = tpu.scan <sum>, %scan3A_172#0 masked %reduce_sum3A_180 : vector<16xf32>, vector<16xi1> -> vector<16xf32>
    %reduce_sum3A_182 = vector.extract %reduce_sum3A_181[15] : f32 from vector<16xf32>
    %bitcast_convert_type3A_183 = arith.bitcast %reduce_sum3A_182 : f32 to i32
    %shift_right_arithmetic3A_184 = arith.constant 1 : i32
    %shift_right_arithmetic3A_185 = arith.shrsi %bitcast_convert_type3A_183, %shift_right_arithmetic3A_184 : i32
    %sub3A_186 = arith.constant 1597463007 : i32
    %sub3A_187 = arith.subi %sub3A_186, %shift_right_arithmetic3A_185 : i32
    %bitcast_convert_type3A_188 = arith.bitcast %sub3A_187 : i32 to f32
    %mul3A_189 = arith.constant 5.000000e-01 : f32
    %mul3A_190 = arith.mulf %mul3A_189, %reduce_sum3A_182 : f32
    %mul3A_191 = arith.mulf %mul3A_190, %bitcast_convert_type3A_188 : f32
    %mul3A_192 = arith.mulf %mul3A_191, %bitcast_convert_type3A_188 : f32
    %sub3A_193 = arith.constant 1.500000e+00 : f32
    %sub3A_194 = arith.subf %sub3A_193, %mul3A_192 : f32
    %mul3A_195 = arith.mulf %bitcast_convert_type3A_188, %sub3A_194 : f32
    %mul3A_196 = arith.constant 5.000000e-01 : f32
    %mul3A_197 = arith.mulf %mul3A_196, %reduce_sum3A_182 : f32
    %mul3A_198 = arith.mulf %mul3A_197, %mul3A_195 : f32
    %mul3A_199 = arith.mulf %mul3A_198, %mul3A_195 : f32
    %sub3A_200 = arith.constant 1.500000e+00 : f32
    %sub3A_201 = arith.subf %sub3A_200, %mul3A_199 : f32
    %mul3A_202 = arith.mulf %mul3A_195, %sub3A_201 : f32
    %mul3A_203 = arith.constant 5.000000e-01 : f32
    %mul3A_204 = arith.mulf %mul3A_203, %reduce_sum3A_182 : f32
    %mul3A_205 = arith.mulf %mul3A_204, %mul3A_202 : f32
    %mul3A_206 = arith.mulf %mul3A_205, %mul3A_202 : f32
    %sub3A_207 = arith.constant 1.500000e+00 : f32
    %sub3A_208 = arith.subf %sub3A_207, %mul3A_206 : f32
    %mul3A_209 = arith.mulf %mul3A_202, %sub3A_208 : f32
    %mul3A_210 = arith.mulf %mul3A_178, %mul3A_209 : f32
    %sub3A_211 = arith.constant 1.000000e+00 : f32
    %sub3A_212 = arith.subf %sub3A_211, %mul3A_210 : f32
    %bitcast_convert_type3A_213 = arith.bitcast %reduce_sum3A_157 : f32 to i32
    %shift_right_arithmetic3A_214 = arith.constant 1 : i32
    %shift_right_arithmetic3A_215 = arith.shrsi %bitcast_convert_type3A_213, %shift_right_arithmetic3A_214 : i32
    %sub3A_216 = arith.constant 1597463007 : i32
    %sub3A_217 = arith.subi %sub3A_216, %shift_right_arithmetic3A_215 : i32
    %bitcast_convert_type3A_218 = arith.bitcast %sub3A_217 : i32 to f32
    %mul3A_219 = arith.constant 5.000000e-01 : f32
    %mul3A_220 = arith.mulf %mul3A_219, %reduce_sum3A_157 : f32
    %mul3A_221 = arith.mulf %mul3A_220, %bitcast_convert_type3A_218 : f32
    %mul3A_222 = arith.mulf %mul3A_221, %bitcast_convert_type3A_218 : f32
    %sub3A_223 = arith.constant 1.500000e+00 : f32
    %sub3A_224 = arith.subf %sub3A_223, %mul3A_222 : f32
    %mul3A_225 = arith.mulf %bitcast_convert_type3A_218, %sub3A_224 : f32
    %mul3A_226 = arith.constant 5.000000e-01 : f32
    %mul3A_227 = arith.mulf %mul3A_226, %reduce_sum3A_157 : f32
    %mul3A_228 = arith.mulf %mul3A_227, %mul3A_225 : f32
    %mul3A_229 = arith.mulf %mul3A_228, %mul3A_225 : f32
    %sub3A_230 = arith.constant 1.500000e+00 : f32
    %sub3A_231 = arith.subf %sub3A_230, %mul3A_229 : f32
    %mul3A_232 = arith.mulf %mul3A_225, %sub3A_231 : f32
    %mul3A_233 = arith.constant 5.000000e-01 : f32
    %mul3A_234 = arith.mulf %mul3A_233, %reduce_sum3A_157 : f32
    %mul3A_235 = arith.mulf %mul3A_234, %mul3A_232 : f32
    %mul3A_236 = arith.mulf %mul3A_235, %mul3A_232 : f32
    %sub3A_237 = arith.constant 1.500000e+00 : f32
    %sub3A_238 = arith.subf %sub3A_237, %mul3A_236 : f32
    %mul3A_239 = arith.mulf %mul3A_232, %sub3A_238 : f32
    %mul3A_240 = arith.mulf %sub3A_212, %mul3A_239 : f32
    %sub3A_241 = arith.constant 5.000000e-02 : f32
    %sub3A_242 = arith.subf %mul3A_240, %sub3A_241 : f32
    %max3A_243 = arith.constant 0.000000e+00 : f32
    %max3A_244 = arith.maximumf %sub3A_242, %max3A_243 : f32
    %jit3A_245 = arith.constant 0.000000e+00 : f32
    %select_n3A_246 = arith.select %eq3A_163, %jit3A_245, %max3A_244 : f32
    %add3A_247 = arith.addf %add3A_143, %select_n3A_246 : f32
    %broadcast_in_dim3A_248 = arith.constant 0.000000e+00 : f32
    %broadcast_in_dim3A_249 = vector.broadcast %broadcast_in_dim3A_248 : f32 to vector<16xf32>
    %broadcast_in_dim3A_250 = arith.constant 0.000000e+00 : f32
    %broadcast_in_dim3A_251 = vector.broadcast %broadcast_in_dim3A_250 : f32 to vector<16xf32>
    %scan3A_252 = arith.constant 0 : i32
    %scan3A_253 = arith.constant 16 : i32
    %scan3A_254 = arith.addi %scan3A_252, %scan3A_253 : i32
    %scan3A_255 = arith.constant 1 : i32
    %scan3A_256:2 = scf.for %scan3A_365 = %scan3A_252 to %scan3A_254 step %scan3A_255 iter_args(%scan3A_366 = %broadcast_in_dim3A_249, %scan3A_367 = %broadcast_in_dim3A_251) -> (vector<16xf32>, vector<16xf32>)  : i32 {
      %mul3A_368 = arith.constant 4 : i32
      %mul3A_369 = arith.muli %scan3A_365, %mul3A_368 : i32
      %add3A_370 = arith.constant 0 : i32
      %add3A_371 = arith.addi %mul3A_369, %add3A_370 : i32
      %mul3A_372 = arith.constant 16 : i32
      %mul3A_373 = arith.muli %add3A_371, %mul3A_372 : i32
      %add3A_374 = arith.constant 3072 : i32
      %add3A_375 = arith.addi %add3A_374, %mul3A_373 : i32
      %get3A = arith.index_cast %add3A_375 : i32 to index
      %get3A_376 = tpu.vector_load %arg5[%get3A] {strides = array<i32>} : memref<4096xf32, #tpu.memory_space<vmem>>, vector<16xf32>,
      %get3A_377 = arith.index_cast %mul3A_373 : i32 to index
      %get3A_378 = tpu.vector_load %arg5[%get3A_377] {strides = array<i32>} : memref<4096xf32, #tpu.memory_space<vmem>>, vector<16xf32>,
      %sub3A_379 = arith.subf %get3A_376, %get3A_378 : vector<16xf32>
      %mul3A_380 = arith.mulf %sub3A_379, %sub3A_379 : vector<16xf32>
      %add3A_381 = arith.addf %scan3A_366, %mul3A_380 : vector<16xf32>
      %abs3A = math.absf %sub3A_379 : vector<16xf32>
      %max3A_382 = arith.maximumf %scan3A_367, %abs3A : vector<16xf32>
      %mul3A_383 = arith.constant 4 : i32
      %mul3A_384 = arith.muli %scan3A_365, %mul3A_383 : i32
      %add3A_385 = arith.constant 1 : i32
      %add3A_386 = arith.addi %mul3A_384, %add3A_385 : i32
      %mul3A_387 = arith.constant 16 : i32
      %mul3A_388 = arith.muli %add3A_386, %mul3A_387 : i32
      %add3A_389 = arith.constant 3072 : i32
      %add3A_390 = arith.addi %add3A_389, %mul3A_388 : i32
      %get3A_391 = arith.index_cast %add3A_390 : i32 to index
      %get3A_392 = tpu.vector_load %arg5[%get3A_391] {strides = array<i32>} : memref<4096xf32, #tpu.memory_space<vmem>>, vector<16xf32>,
      %get3A_393 = arith.index_cast %mul3A_388 : i32 to index
      %get3A_394 = tpu.vector_load %arg5[%get3A_393] {strides = array<i32>} : memref<4096xf32, #tpu.memory_space<vmem>>, vector<16xf32>,
      %sub3A_395 = arith.subf %get3A_392, %get3A_394 : vector<16xf32>
      %mul3A_396 = arith.mulf %sub3A_395, %sub3A_395 : vector<16xf32>
      %add3A_397 = arith.addf %add3A_381, %mul3A_396 : vector<16xf32>
      %abs3A_398 = math.absf %sub3A_395 : vector<16xf32>
      %max3A_399 = arith.maximumf %max3A_382, %abs3A_398 : vector<16xf32>
      %mul3A_400 = arith.constant 4 : i32
      %mul3A_401 = arith.muli %scan3A_365, %mul3A_400 : i32
      %add3A_402 = arith.constant 2 : i32
      %add3A_403 = arith.addi %mul3A_401, %add3A_402 : i32
      %mul3A_404 = arith.constant 16 : i32
      %mul3A_405 = arith.muli %add3A_403, %mul3A_404 : i32
      %add3A_406 = arith.constant 3072 : i32
      %add3A_407 = arith.addi %add3A_406, %mul3A_405 : i32
      %get3A_408 = arith.index_cast %add3A_407 : i32 to index
      %get3A_409 = tpu.vector_load %arg5[%get3A_408] {strides = array<i32>} : memref<4096xf32, #tpu.memory_space<vmem>>, vector<16xf32>,
      %get3A_410 = arith.index_cast %mul3A_405 : i32 to index
      %get3A_411 = tpu.vector_load %arg5[%get3A_410] {strides = array<i32>} : memref<4096xf32, #tpu.memory_space<vmem>>, vector<16xf32>,
      %sub3A_412 = arith.subf %get3A_409, %get3A_411 : vector<16xf32>
      %mul3A_413 = arith.mulf %sub3A_412, %sub3A_412 : vector<16xf32>
      %add3A_414 = arith.addf %add3A_397, %mul3A_413 : vector<16xf32>
      %abs3A_415 = math.absf %sub3A_412 : vector<16xf32>
      %max3A_416 = arith.maximumf %max3A_399, %abs3A_415 : vector<16xf32>
      %mul3A_417 = arith.constant 4 : i32
      %mul3A_418 = arith.muli %scan3A_365, %mul3A_417 : i32
      %add3A_419 = arith.constant 3 : i32
      %add3A_420 = arith.addi %mul3A_418, %add3A_419 : i32
      %mul3A_421 = arith.constant 16 : i32
      %mul3A_422 = arith.muli %add3A_420, %mul3A_421 : i32
      %add3A_423 = arith.constant 3072 : i32
      %add3A_424 = arith.addi %add3A_423, %mul3A_422 : i32
      %get3A_425 = arith.index_cast %add3A_424 : i32 to index
      %get3A_426 = tpu.vector_load %arg5[%get3A_425] {strides = array<i32>} : memref<4096xf32, #tpu.memory_space<vmem>>, vector<16xf32>,
      %get3A_427 = arith.index_cast %mul3A_422 : i32 to index
      %get3A_428 = tpu.vector_load %arg5[%get3A_427] {strides = array<i32>} : memref<4096xf32, #tpu.memory_space<vmem>>, vector<16xf32>,
      %sub3A_429 = arith.subf %get3A_426, %get3A_428 : vector<16xf32>
      %mul3A_430 = arith.mulf %sub3A_429, %sub3A_429 : vector<16xf32>
      %add3A_431 = arith.addf %add3A_414, %mul3A_430 : vector<16xf32>
      %abs3A_432 = math.absf %sub3A_429 : vector<16xf32>
      %max3A_433 = arith.maximumf %max3A_416, %abs3A_432 : vector<16xf32>
      scf.yield %add3A_431, %max3A_433 : vector<16xf32>, vector<16xf32>
    }
    %scan3A_257 = arith.constant 16 : i32
    %reduce_sum3A_258 = arith.constant true
    %reduce_sum3A_259 = vector.broadcast %reduce_sum3A_258 : i1 to vector<16xi1>
    %reduce_sum3A_260 = tpu.scan <sum>, %scan3A_256#0 masked %reduce_sum3A_259 : vector<16xf32>, vector<16xi1> -> vector<16xf32>
    %reduce_sum3A_261 = vector.extract %reduce_sum3A_260[15] : f32 from vector<16xf32>
    %reduce_max3A_262 = arith.constant true
    %reduce_max3A_263 = vector.broadcast %reduce_max3A_262 : i1 to vector<16xi1>
    %reduce_max3A_264 = tpu.scan <max>, %scan3A_256#1 masked %reduce_max3A_263 : vector<16xf32>, vector<16xi1> -> vector<16xf32>
    %reduce_max3A_265 = vector.extract %reduce_max3A_264[15] : f32 from vector<16xf32>
    %eq3A_266 = arith.constant 0.000000e+00 : f32
    %eq3A_267 = arith.cmpf oeq, %reduce_max3A_265, %eq3A_266 : f32
    %broadcast_in_dim3A_268 = arith.constant 0.000000e+00 : f32
    %broadcast_in_dim3A_269 = vector.broadcast %broadcast_in_dim3A_268 : f32 to vector<16xf32>
    %broadcast_in_dim3A_270 = arith.constant 0.000000e+00 : f32
    %broadcast_in_dim3A_271 = vector.broadcast %broadcast_in_dim3A_270 : f32 to vector<16xf32>
    %scan3A_272 = arith.constant 0 : i32
    %scan3A_273 = arith.constant 2 : i32
    %scan3A_274 = arith.addi %scan3A_272, %scan3A_273 : i32
    %scan3A_275 = arith.constant 1 : i32
    %scan3A_276:2 = scf.for %scan3A_365 = %scan3A_272 to %scan3A_274 step %scan3A_275 iter_args(%scan3A_366 = %broadcast_in_dim3A_269, %scan3A_367 = %broadcast_in_dim3A_271) -> (vector<16xf32>, vector<16xf32>)  : i32 {
      %mul3A_368 = arith.constant 4 : i32
      %mul3A_369 = arith.muli %scan3A_365, %mul3A_368 : i32
      %add3A_370 = arith.constant 0 : i32
      %add3A_371 = arith.addi %mul3A_369, %add3A_370 : i32
      %mul3A_372 = arith.constant 16 : i32
      %mul3A_373 = arith.muli %add3A_371, %mul3A_372 : i32
      %get3A = arith.index_cast %mul3A_373 : i32 to index
      %get3A_374 = tpu.vector_load %arg6[%get3A] {strides = array<i32>} : memref<512xf32, #tpu.memory_space<vmem>>, vector<16xf32>,
      %add3A_375 = arith.constant 384 : i32
      %add3A_376 = arith.addi %add3A_375, %mul3A_373 : i32
      %get3A_377 = arith.index_cast %add3A_376 : i32 to index
      %get3A_378 = tpu.vector_load %arg6[%get3A_377] {strides = array<i32>} : memref<512xf32, #tpu.memory_space<vmem>>, vector<16xf32>,
      %mul3A_379 = arith.mulf %get3A_378, %get3A_378 : vector<16xf32>
      %add3A_380 = arith.addf %scan3A_366, %mul3A_379 : vector<16xf32>
      %mul3A_381 = arith.mulf %get3A_374, %get3A_378 : vector<16xf32>
      %add3A_382 = arith.addf %scan3A_367, %mul3A_381 : vector<16xf32>
      %mul3A_383 = arith.constant 4 : i32
      %mul3A_384 = arith.muli %scan3A_365, %mul3A_383 : i32
      %add3A_385 = arith.constant 1 : i32
      %add3A_386 = arith.addi %mul3A_384, %add3A_385 : i32
      %mul3A_387 = arith.constant 16 : i32
      %mul3A_388 = arith.muli %add3A_386, %mul3A_387 : i32
      %get3A_389 = arith.index_cast %mul3A_388 : i32 to index
      %get3A_390 = tpu.vector_load %arg6[%get3A_389] {strides = array<i32>} : memref<512xf32, #tpu.memory_space<vmem>>, vector<16xf32>,
      %add3A_391 = arith.constant 384 : i32
      %add3A_392 = arith.addi %add3A_391, %mul3A_388 : i32
      %get3A_393 = arith.index_cast %add3A_392 : i32 to index
      %get3A_394 = tpu.vector_load %arg6[%get3A_393] {strides = array<i32>} : memref<512xf32, #tpu.memory_space<vmem>>, vector<16xf32>,
      %mul3A_395 = arith.mulf %get3A_394, %get3A_394 : vector<16xf32>
      %add3A_396 = arith.addf %add3A_380, %mul3A_395 : vector<16xf32>
      %mul3A_397 = arith.mulf %get3A_390, %get3A_394 : vector<16xf32>
      %add3A_398 = arith.addf %add3A_382, %mul3A_397 : vector<16xf32>
      %mul3A_399 = arith.constant 4 : i32
      %mul3A_400 = arith.muli %scan3A_365, %mul3A_399 : i32
      %add3A_401 = arith.constant 2 : i32
      %add3A_402 = arith.addi %mul3A_400, %add3A_401 : i32
      %mul3A_403 = arith.constant 16 : i32
      %mul3A_404 = arith.muli %add3A_402, %mul3A_403 : i32
      %get3A_405 = arith.index_cast %mul3A_404 : i32 to index
      %get3A_406 = tpu.vector_load %arg6[%get3A_405] {strides = array<i32>} : memref<512xf32, #tpu.memory_space<vmem>>, vector<16xf32>,
      %add3A_407 = arith.constant 384 : i32
      %add3A_408 = arith.addi %add3A_407, %mul3A_404 : i32
      %get3A_409 = arith.index_cast %add3A_408 : i32 to index
      %get3A_410 = tpu.vector_load %arg6[%get3A_409] {strides = array<i32>} : memref<512xf32, #tpu.memory_space<vmem>>, vector<16xf32>,
      %mul3A_411 = arith.mulf %get3A_410, %get3A_410 : vector<16xf32>
      %add3A_412 = arith.addf %add3A_396, %mul3A_411 : vector<16xf32>
      %mul3A_413 = arith.mulf %get3A_406, %get3A_410 : vector<16xf32>
      %add3A_414 = arith.addf %add3A_398, %mul3A_413 : vector<16xf32>
      %mul3A_415 = arith.constant 4 : i32
      %mul3A_416 = arith.muli %scan3A_365, %mul3A_415 : i32
      %add3A_417 = arith.constant 3 : i32
      %add3A_418 = arith.addi %mul3A_416, %add3A_417 : i32
      %mul3A_419 = arith.constant 16 : i32
      %mul3A_420 = arith.muli %add3A_418, %mul3A_419 : i32
      %get3A_421 = arith.index_cast %mul3A_420 : i32 to index
      %get3A_422 = tpu.vector_load %arg6[%get3A_421] {strides = array<i32>} : memref<512xf32, #tpu.memory_space<vmem>>, vector<16xf32>,
      %add3A_423 = arith.constant 384 : i32
      %add3A_424 = arith.addi %add3A_423, %mul3A_420 : i32
      %get3A_425 = arith.index_cast %add3A_424 : i32 to index
      %get3A_426 = tpu.vector_load %arg6[%get3A_425] {strides = array<i32>} : memref<512xf32, #tpu.memory_space<vmem>>, vector<16xf32>,
      %mul3A_427 = arith.mulf %get3A_426, %get3A_426 : vector<16xf32>
      %add3A_428 = arith.addf %add3A_412, %mul3A_427 : vector<16xf32>
      %mul3A_429 = arith.mulf %get3A_422, %get3A_426 : vector<16xf32>
      %add3A_430 = arith.addf %add3A_414, %mul3A_429 : vector<16xf32>
      scf.yield %add3A_428, %add3A_430 : vector<16xf32>, vector<16xf32>
    }
    %scan3A_277 = arith.constant 2 : i32
    %reduce_sum3A_278 = arith.constant true
    %reduce_sum3A_279 = vector.broadcast %reduce_sum3A_278 : i1 to vector<16xi1>
    %reduce_sum3A_280 = tpu.scan <sum>, %scan3A_276#1 masked %reduce_sum3A_279 : vector<16xf32>, vector<16xi1> -> vector<16xf32>
    %reduce_sum3A_281 = vector.extract %reduce_sum3A_280[15] : f32 from vector<16xf32>
    %mul3A_282 = arith.mulf %reduce_sum3A_281, %mul3A_43 : f32
    %reduce_sum3A_283 = arith.constant true
    %reduce_sum3A_284 = vector.broadcast %reduce_sum3A_283 : i1 to vector<16xi1>
    %reduce_sum3A_285 = tpu.scan <sum>, %scan3A_276#0 masked %reduce_sum3A_284 : vector<16xf32>, vector<16xi1> -> vector<16xf32>
    %reduce_sum3A_286 = vector.extract %reduce_sum3A_285[15] : f32 from vector<16xf32>
    %bitcast_convert_type3A_287 = arith.bitcast %reduce_sum3A_286 : f32 to i32
    %shift_right_arithmetic3A_288 = arith.constant 1 : i32
    %shift_right_arithmetic3A_289 = arith.shrsi %bitcast_convert_type3A_287, %shift_right_arithmetic3A_288 : i32
    %sub3A_290 = arith.constant 1597463007 : i32
    %sub3A_291 = arith.subi %sub3A_290, %shift_right_arithmetic3A_289 : i32
    %bitcast_convert_type3A_292 = arith.bitcast %sub3A_291 : i32 to f32
    %mul3A_293 = arith.constant 5.000000e-01 : f32
    %mul3A_294 = arith.mulf %mul3A_293, %reduce_sum3A_286 : f32
    %mul3A_295 = arith.mulf %mul3A_294, %bitcast_convert_type3A_292 : f32
    %mul3A_296 = arith.mulf %mul3A_295, %bitcast_convert_type3A_292 : f32
    %sub3A_297 = arith.constant 1.500000e+00 : f32
    %sub3A_298 = arith.subf %sub3A_297, %mul3A_296 : f32
    %mul3A_299 = arith.mulf %bitcast_convert_type3A_292, %sub3A_298 : f32
    %mul3A_300 = arith.constant 5.000000e-01 : f32
    %mul3A_301 = arith.mulf %mul3A_300, %reduce_sum3A_286 : f32
    %mul3A_302 = arith.mulf %mul3A_301, %mul3A_299 : f32
    %mul3A_303 = arith.mulf %mul3A_302, %mul3A_299 : f32
    %sub3A_304 = arith.constant 1.500000e+00 : f32
    %sub3A_305 = arith.subf %sub3A_304, %mul3A_303 : f32
    %mul3A_306 = arith.mulf %mul3A_299, %sub3A_305 : f32
    %mul3A_307 = arith.constant 5.000000e-01 : f32
    %mul3A_308 = arith.mulf %mul3A_307, %reduce_sum3A_286 : f32
    %mul3A_309 = arith.mulf %mul3A_308, %mul3A_306 : f32
    %mul3A_310 = arith.mulf %mul3A_309, %mul3A_306 : f32
    %sub3A_311 = arith.constant 1.500000e+00 : f32
    %sub3A_312 = arith.subf %sub3A_311, %mul3A_310 : f32
    %mul3A_313 = arith.mulf %mul3A_306, %sub3A_312 : f32
    %mul3A_314 = arith.mulf %mul3A_282, %mul3A_313 : f32
    %sub3A_315 = arith.constant 1.000000e+00 : f32
    %sub3A_316 = arith.subf %sub3A_315, %mul3A_314 : f32
    %bitcast_convert_type3A_317 = arith.bitcast %reduce_sum3A_261 : f32 to i32
    %shift_right_arithmetic3A_318 = arith.constant 1 : i32
    %shift_right_arithmetic3A_319 = arith.shrsi %bitcast_convert_type3A_317, %shift_right_arithmetic3A_318 : i32
    %sub3A_320 = arith.constant 1597463007 : i32
    %sub3A_321 = arith.subi %sub3A_320, %shift_right_arithmetic3A_319 : i32
    %bitcast_convert_type3A_322 = arith.bitcast %sub3A_321 : i32 to f32
    %mul3A_323 = arith.constant 5.000000e-01 : f32
    %mul3A_324 = arith.mulf %mul3A_323, %reduce_sum3A_261 : f32
    %mul3A_325 = arith.mulf %mul3A_324, %bitcast_convert_type3A_322 : f32
    %mul3A_326 = arith.mulf %mul3A_325, %bitcast_convert_type3A_322 : f32
    %sub3A_327 = arith.constant 1.500000e+00 : f32
    %sub3A_328 = arith.subf %sub3A_327, %mul3A_326 : f32
    %mul3A_329 = arith.mulf %bitcast_convert_type3A_322, %sub3A_328 : f32
    %mul3A_330 = arith.constant 5.000000e-01 : f32
    %mul3A_331 = arith.mulf %mul3A_330, %reduce_sum3A_261 : f32
    %mul3A_332 = arith.mulf %mul3A_331, %mul3A_329 : f32
    %mul3A_333 = arith.mulf %mul3A_332, %mul3A_329 : f32
    %sub3A_334 = arith.constant 1.500000e+00 : f32
    %sub3A_335 = arith.subf %sub3A_334, %mul3A_333 : f32
    %mul3A_336 = arith.mulf %mul3A_329, %sub3A_335 : f32
    %mul3A_337 = arith.constant 5.000000e-01 : f32
    %mul3A_338 = arith.mulf %mul3A_337, %reduce_sum3A_261 : f32
    %mul3A_339 = arith.mulf %mul3A_338, %mul3A_336 : f32
    %mul3A_340 = arith.mulf %mul3A_339, %mul3A_336 : f32
    %sub3A_341 = arith.constant 1.500000e+00 : f32
    %sub3A_342 = arith.subf %sub3A_341, %mul3A_340 : f32
    %mul3A_343 = arith.mulf %mul3A_336, %sub3A_342 : f32
    %mul3A_344 = arith.mulf %sub3A_316, %mul3A_343 : f32
    %sub3A_345 = arith.constant 5.000000e-02 : f32
    %sub3A_346 = arith.subf %mul3A_344, %sub3A_345 : f32
    %max3A_347 = arith.constant 0.000000e+00 : f32
    %max3A_348 = arith.maximumf %sub3A_346, %max3A_347 : f32
    %jit3A_349 = arith.constant 0.000000e+00 : f32
    %select_n3A_350 = arith.select %eq3A_267, %jit3A_349, %max3A_348 : f32
    %add3A_351 = arith.addf %add3A_247, %select_n3A_350 : f32
    %eq3A_352 = arith.constant 0 : i32
    %eq3A_353 = vector.broadcast %eq3A_352 : i32 to vector<16xi32>
    %eq3A_354 = arith.cmpi eq, %iota3A, %eq3A_353 : vector<16xi32>
    %eq3A_355 = arith.constant 1 : i32
    %eq3A_356 = vector.broadcast %eq3A_355 : i32 to vector<16xi32>
    %eq3A_357 = arith.cmpi eq, %iota3A, %eq3A_356 : vector<16xi32>
    %jit3A_358 = arith.constant 0.000000e+00 : f32
    %broadcast_in_dim3A_359 = vector.broadcast %reduce_sum3A_19 : f32 to vector<16xf32>
    %broadcast_in_dim3A_360 = vector.broadcast %jit3A_358 : f32 to vector<16xf32>
    %select_n3A_361 = arith.select %eq3A_357, %broadcast_in_dim3A_359, %broadcast_in_dim3A_360 : vector<16xi1>, vector<16xf32>
    %broadcast_in_dim3A_362 = vector.broadcast %add3A_351 : f32 to vector<16xf32>
    %select_n3A_363 = arith.select %eq3A_354, %broadcast_in_dim3A_362, %select_n3A_361 : vector<16xi1>, vector<16xf32>
    %swap3A = arith.constant 0 : index
    %swap3A_364 = tpu.vector_load %arg7[%swap3A] {strides = array<i32>} : memref<16xf32, #tpu.memory_space<vmem>>, vector<16xf32>,
    tpu.vector_store %arg7[%swap3A], %select_n3A_363 {strides = array<i32>} : memref<16xf32, #tpu.memory_space<vmem>>, vector<16xf32>,
    "tpu.region"() ({
      %run_scoped3A = tpu.sem_alloc : memref<!tpu.dma_semaphore, #tpu.memory_space<semaphore_mem>>
      %dma_start3A = arith.constant 0 : i32
      %dma_start3A_365 = tpu.memref_slice %arg4[%add3A, %dma_start3A] : memref<32x16xf32, #tpu.memory_space<hbm>> -> memref<1x16xf32, #tpu.memory_space<hbm>>
      %dma_start3A_366 = tpu.memref_squeeze %dma_start3A_365 : memref<1x16xf32, #tpu.memory_space<hbm>> -> memref<16xf32, #tpu.memory_space<hbm>>
      %dma_start3A_367 = arith.constant 0 : i32
      %dma_start3A_368 = tpu.memref_slice %arg4[%add3A, %dma_start3A_367] : memref<32x16xf32, #tpu.memory_space<hbm>> -> memref<1x16xf32, #tpu.memory_space<hbm>>
      %dma_start3A_369 = tpu.memref_squeeze %dma_start3A_368 : memref<1x16xf32, #tpu.memory_space<hbm>> -> memref<16xf32, #tpu.memory_space<hbm>>
      tpu.enqueue_dma source(%arg7 : memref<16xf32, #tpu.memory_space<vmem>>) target(%dma_start3A_369 : memref<16xf32, #tpu.memory_space<hbm>>) target_semaphore(%run_scoped3A : memref<!tpu.dma_semaphore, #tpu.memory_space<semaphore_mem>>)
      %dma_wait3A = arith.constant 0 : i32
      %dma_wait3A_370 = tpu.memref_slice %arg4[%add3A, %dma_wait3A] : memref<32x16xf32, #tpu.memory_space<hbm>> -> memref<1x16xf32, #tpu.memory_space<hbm>>
      %dma_wait3A_371 = tpu.memref_squeeze %dma_wait3A_370 : memref<1x16xf32, #tpu.memory_space<hbm>> -> memref<16xf32, #tpu.memory_space<hbm>>
      %dma_wait3A_372 = arith.constant 0 : i32
      %dma_wait3A_373 = tpu.memref_slice %arg4[%add3A, %dma_wait3A_372] : memref<32x16xf32, #tpu.memory_space<hbm>> -> memref<1x16xf32, #tpu.memory_space<hbm>>
      %dma_wait3A_374 = tpu.memref_squeeze %dma_wait3A_373 : memref<1x16xf32, #tpu.memory_space<hbm>> -> memref<16xf32, #tpu.memory_space<hbm>>
      tpu.wait_dma2 semaphore(%run_scoped3A : memref<!tpu.dma_semaphore, #tpu.memory_space<semaphore_mem>>) src(%arg7 : memref<16xf32, #tpu.memory_space<vmem>>) dst(%dma_wait3A_374 : memref<16xf32, #tpu.memory_space<hbm>>)
      tpu.yield
    }) : () -> ()
    return
  }
}

module attributes {stable_mosaic.version = 14 : i64} {
  func.func @_fin_body(%arg0: memref<32x16xf32, #tpu.memory_space<vmem>>, %arg1: memref<32x1xi32, #tpu.memory_space<vmem>>, %arg2: memref<1x1xf32, #tpu.memory_space<vmem>>) attributes {dimension_semantics = [], scalar_prefetch = 0 : i64, scratch_operands = 0 : i64, tpu.core_type = #tpu.core_type<tc>} {
    %get3A = arith.constant 0 : index
    %get3A_0 = arith.constant 0 : index
    %get3A_1 = vector.load %arg0[%get3A, %get3A_0] : memref<32x16xf32, #tpu.memory_space<vmem>>, vector<32x16xf32>
    %get3A_2 = arith.constant 0 : index
    %get3A_3 = arith.constant 0 : index
    %get3A_4 = vector.load %arg1[%get3A_2, %get3A_3] : memref<32x1xi32, #tpu.memory_space<vmem>>, vector<32x1xi32>
    %iota3A = tpu.iota {dimensions = array<i32: 1>} : vector<32x16xi32>
    %eq3A = arith.constant 0 : i32
    %eq3A_5 = vector.broadcast %eq3A : i32 to vector<32x16xi32>
    %eq3A_6 = arith.cmpi eq, %iota3A, %eq3A_5 : vector<32x16xi32>
    %jit3A = arith.constant 0.000000e+00 : f32
    %broadcast_in_dim3A = vector.broadcast %jit3A : f32 to vector<32x16xf32>
    %select_n3A = arith.select %eq3A_6, %get3A_1, %broadcast_in_dim3A : vector<32x16xi1>, vector<32x16xf32>
    %reduce_sum3A = vector.shape_cast %select_n3A : vector<32x16xf32> to vector<1x32x16xf32>
    %reduce_sum3A_7 = arith.constant dense<0.000000e+00> : vector<1xf32>
    %reduce_sum3A_8 = vector.multi_reduction <add>, %reduce_sum3A, %reduce_sum3A_7 [1, 2] : vector<1x32x16xf32> to vector<1xf32>
    %reduce_sum3A_9 = vector.shape_cast %reduce_sum3A_8 : vector<1xf32> to vector<1x1x1xf32>
    %reduce_sum3A_10 = vector.extract %reduce_sum3A_9[0, 0, 0] : f32 from vector<1x1x1xf32>
    %div3A = arith.constant 9.600000e+01 : f32
    %div3A_11 = arith.divf %reduce_sum3A_10, %div3A : f32
    %squeeze3A = vector.shape_cast %get3A_4 : vector<32x1xi32> to vector<32xi32>
    %slice3A = vector.extract_strided_slice %get3A_4 {offsets = [0, 0], sizes = [1, 1], strides = [1, 1]} : vector<32x1xi32> to vector<1x1xi32>
    %squeeze3A_12 = vector.extract %slice3A[0, 0] : i32 from vector<1x1xi32>
    %eq3A_13 = vector.broadcast %squeeze3A_12 : i32 to vector<32xi32>
    %eq3A_14 = arith.cmpi eq, %squeeze3A, %eq3A_13 : vector<32xi32>
    %convert_element_type3A = arith.extui %eq3A_14 : vector<32xi1> to vector<32xi32>
    %reduce_sum3A_15 = vector.shape_cast %convert_element_type3A : vector<32xi32> to vector<1x32xi32>
    %reduce_sum3A_16 = arith.constant dense<0> : vector<1xi32>
    %reduce_sum3A_17 = vector.multi_reduction <add>, %reduce_sum3A_15, %reduce_sum3A_16 [1] : vector<1x32xi32> to vector<1xi32>
    %reduce_sum3A_18 = vector.shape_cast %reduce_sum3A_17 : vector<1xi32> to vector<1x1xi32>
    %reduce_sum3A_19 = vector.extract %reduce_sum3A_18[0, 0] : i32 from vector<1x1xi32>
    %min3A = arith.constant 4 : i32
    %min3A_20 = arith.minsi %reduce_sum3A_19, %min3A : i32
    %iota3A_21 = tpu.iota {dimensions = array<i32: 0>} : vector<32x32xi32>
    %iota3A_22 = tpu.iota {dimensions = array<i32: 1>} : vector<32x32xi32>
    %gt3A = arith.cmpi sgt, %iota3A_22, %iota3A_21 : vector<32x32xi32>
    %broadcast_in_dim3A_23 = vector.shape_cast %eq3A_14 : vector<32xi1> to vector<1x32xi1>
    %and3A = vector.broadcast %broadcast_in_dim3A_23 : vector<1x32xi1> to vector<32x32xi1>
    %and3A_24 = arith.andi %gt3A, %and3A : vector<32x32xi1>
    %jit3A_25 = arith.constant 1 : i32
    %jit3A_26 = arith.constant 0 : i32
    %broadcast_in_dim3A_27 = vector.broadcast %jit3A_25 : i32 to vector<32x32xi32>
    %broadcast_in_dim3A_28 = vector.broadcast %jit3A_26 : i32 to vector<32x32xi32>
    %select_n3A_29 = arith.select %and3A_24, %broadcast_in_dim3A_27, %broadcast_in_dim3A_28 : vector<32x32xi1>, vector<32x32xi32>
    %reduce_sum3A_30 = arith.constant dense<0> : vector<32xi32>
    %reduce_sum3A_31 = vector.multi_reduction <add>, %select_n3A_29, %reduce_sum3A_30 [1] : vector<32x32xi32> to vector<32xi32>
    %le3A = arith.constant 3 : i32
    %le3A_32 = vector.broadcast %le3A : i32 to vector<32xi32>
    %le3A_33 = arith.cmpi sle, %reduce_sum3A_31, %le3A_32 : vector<32xi32>
    %and3A_34 = arith.andi %eq3A_14, %le3A_33 : vector<32xi1>
    %slice3A_35 = vector.extract_strided_slice %get3A_1 {offsets = [0, 1], sizes = [32, 1], strides = [1, 1]} : vector<32x16xf32> to vector<32x1xf32>
    %squeeze3A_36 = vector.shape_cast %slice3A_35 : vector<32x1xf32> to vector<32xf32>
    %jit3A_37 = arith.constant 0.000000e+00 : f32
    %broadcast_in_dim3A_38 = vector.broadcast %jit3A_37 : f32 to vector<32xf32>
    %select_n3A_39 = arith.select %and3A_34, %squeeze3A_36, %broadcast_in_dim3A_38 : vector<32xi1>, vector<32xf32>
    %reduce_sum3A_40 = vector.shape_cast %select_n3A_39 : vector<32xf32> to vector<1x32xf32>
    %reduce_sum3A_41 = arith.constant dense<0.000000e+00> : vector<1xf32>
    %reduce_sum3A_42 = vector.multi_reduction <add>, %reduce_sum3A_40, %reduce_sum3A_41 [1] : vector<1x32xf32> to vector<1xf32>
    %reduce_sum3A_43 = vector.shape_cast %reduce_sum3A_42 : vector<1xf32> to vector<1x1xf32>
    %reduce_sum3A_44 = vector.extract %reduce_sum3A_43[0, 0] : f32 from vector<1x1xf32>
    %convert_element_type3A_45 = arith.sitofp %min3A_20 : i32 to f32
    %mul3A = arith.constant 1.000000e+01 : f32
    %mul3A_46 = arith.mulf %mul3A, %convert_element_type3A_45 : f32
    %sub3A = arith.constant 4.000000e+00 : f32
    %sub3A_47 = arith.subf %mul3A_46, %sub3A : f32
    %mul3A_48 = arith.constant 0.000000e+00 : f32
    %mul3A_49 = arith.mulf %mul3A_48, %reduce_sum3A_44 : f32
    %add3A = arith.addf %div3A_11, %mul3A_49 : f32
    %mul3A_50 = arith.constant 0.000000e+00 : f32
    %mul3A_51 = arith.mulf %mul3A_50, %sub3A_47 : f32
    %add3A_52 = arith.addf %add3A, %mul3A_51 : f32
    %broadcast_in_dim3A_53 = vector.broadcast %add3A_52 : f32 to vector<1x1xf32>
    %swap3A = arith.constant 0 : index
    %swap3A_54 = arith.constant 0 : index
    %swap3A_55 = vector.load %arg2[%swap3A, %swap3A_54] : memref<1x1xf32, #tpu.memory_space<vmem>>, vector<1x1xf32>
    tpu.vector_store %arg2[%swap3A, %swap3A_54], %broadcast_in_dim3A_53 {strides = array<i32>} : memref<1x1xf32, #tpu.memory_space<vmem>>, vector<1x1xf32>,
    return
  }
}

</mosaic_0001>

<sc_bundles>
// kernel: kernel.4.cloned.1.call-start
scs
__scs_entry_jumppad:
0x0: {  	(pc) =	sbr.rel $0x88, $3  }
0x1: {  	(tag) =	ssettag $0x0;
	lr =	simm.s32 $0x1  }
0x2: {  	[smem:$0x3F9E] =	sst lr;
	_ =	strace $0xD0000000  }
0x3: {  	_ = 	snop  }
0x4: {  	_ = 	snop  }
0x5: {  	_ = 	snop  }
0x6: {  	_ = 	snop  }
0x7: {  	_ = 	snop  }
__scs_overlays_trampoline_lowered:
0x8: {  	[smem:$0x3FAD] =	sst s0  }
0x9: {  	[smem:$0x3FAE] =	sst s1  }
0xa: {  	[smem:$0x3FAF] =	sst s2  }
0xb: {  	[smem:$0x3FB0] =	sst s3  }
0xc: {  	[smem:$0x3FB1] =	sst s4  }
0xd: {  	[smem:$0x3FB2] =	sst s5  }
0xe: {  	[smem:$0x3FB3] =	sst s6  }
0xf: {  	[smem:$0x3FB4] =	sst s7  }
0x10: {  	[smem:$0x3FB5] =	sst s8  }
0x11: {  	[smem:$0x3FB6] =	sst s9;
	s0 =	simm.s32 @!p0 $0x0  }
0x12: {  	s1 =	sld [smem:$0x3F9C];
	s0 =	simm.s32 @p0 $0x1  }
0x13: {  	[smem:$0x3FB7] =	sst s0;
	s0 =	simm.s32 @!p1 $0x0  }
0x14: {  	s2 =	sld [smem:$0x3F9B];
	s0 =	simm.s32 @p1 $0x1  }
0x15: {  	[smem:$0x3FB8] =	sst s0;
	s0 =	simm.s32 @!p2 $0x0  }
0x16: {  	s3 =	sld [smem:$0x3FDB];
	s0 =	simm.s32 @p2 $0x1  }
0x17: {  	s4 =	simm.s32 $0x1BF5;
	[smem:$0x3FBA] =	sst s0  }
0x18: {  	s0 =	sld [smem:$0x3F9D];
	_ =	swait.ge [sflag:s4], $0x0  }
0x19: {  	s7 =	sld [smem:$0x3F9E]  }
0x1a: {  	s8 =	sadd.s32 $0xFFFFE003, lr  }
0x1b: {  	s9 =	sadd.s32 $0xFFFFFEF7, lr;
	s5 =	simm.s32 $0xFFFFFFFF;
	p2 =	slt.u32 s8, $0xFFFFF086  }
0x1c: {  	p1 =	slt.u32 s9, $0xF7A;
	s5 =	simm.s32 @!p2 $0x0  }
0x1d: {  	s5 =	simm.s32 @p1 $0x1;
	p0 =	seq.s32 s7, s2  }
0x1e: {  	s7 =	smul.u32 @!p0 $0xF7A, s2;
	p2 =	seq.s32 @!p0 s5, $0x0  }
0x1f: {  	s9 =	smul.u32 $0xF7A, s1;
	s8 =	simm.s32 @!p0 $0x1BF5;
	p2 =	por !p2, p0  }
0x20: {  	[sflag:s8] =	ssyncset.s32 @!p0 $0xFFFFF086;
	s6 =	sadd.s32 @!p0 s3, s7;
	s7 =	simm.s32 @!p0 $0x108  }
0x21: {  	s3 =	sadd.s32 s3, s9;
	s6 =	sadd.s32 @!p0 $0x88, s6;
	s7 =	simm.s32 @p2 $0x1082  }
0x22: {  	[simem:s7], [sflag:s8] =	dma.local @!p0 [hbm:s6], $0xF7A  }
0x23: {  	s9 =	sor.u32 $0xD0000000, s2;
	s6 =	simm.s32 $0x108;
	_ =	swait.ge @!p0 [sflag:s8], $0x0  }
0x24: {  	s3 =	sadd.s32 $0x88, s3;
	s6 =	simm.s32 @!p1 $0x1082;
	[sflag:s4] =	ssyncset.s32 $0xFFFFF086  }
0x25: {  	[simem:s6], [sflag:s4] =	dma.local [hbm:s3], $0xF7A  }
0x26: {  	[smem:$0x3F9E] =	sst s1;
	(tag) =	ssettag s2;
	_ =	strace s9  }
0x27: {  	s1 =	sld [smem:$0x3FAE]  }
0x28: {  	s2 =	sld [smem:$0x3FAF]  }
0x29: {  	s4 =	sld [smem:$0x3FB1]  }
0x2a: {  	p0 =	seq.s32 s5, $0x0;
	s5 =	sld [smem:$0x3FB2]  }
0x2b: {  	s6 =	sld [smem:$0x3FB3]  }
0x2c: {  	s7 =	sld [smem:$0x3FB4]  }
0x2d: {  	s3 =	simm.s32 $0x108;
	s8 =	sld [smem:$0x3FB5]  }
0x2e: {  	s3 =	simm.s32 @!p0 $0x1082;
	s9 =	sld [smem:$0x3FB6]  }
0x2f: {  	lr =	sadd.s32 s0, s3;
	s0 =	sld [smem:$0x3FAD]  }
0x30: {  	s3 =	sld [smem:$0x3FB0]  }
0x31: {  	[smem:$0x3FB9] =	sst s10  }
0x32: {  	s10 =	sld [smem:$0x3FB7];
	_ =	sdelay $0x3  }
0x33: {  	p0 =	seq.s32 s10, $0x1;
	s10 =	sld [smem:$0x3FB9];
	_ =	sdelay $0x3  }
0x34: {  	[smem:$0x3FB9] =	sst s10  }
0x35: {  	s10 =	sld [smem:$0x3FB8];
	_ =	sdelay $0x3  }
0x36: {  	p1 =	seq.s32 s10, $0x1;
	s10 =	sld [smem:$0x3FB9];
	_ =	sdelay $0x3  }
0x37: {  	[smem:$0x3FB9] =	sst s10  }
0x38: {  	s10 =	sld [smem:$0x3FBA]  }
0x39: {  	_ = 	snop;
	(pc) =	sbr.ind lr, $3  }
0x3a: {  	_ = 	snop  }
0x3b: {  	_ = 	snop  }
0x3c: {  	p2 =	seq.s32 s10, $0x1;
	s10 =	sld [smem:$0x3FB9]  }
0x3d: {  	_ =	shalt  }
0x3e: {  	_ =	shalt  }
0x3f: {  	_ =	shalt  }
0x40: {  	_ =	shalt  }
0x41: {  	_ =	shalt  }
0x42: {  	_ =	shalt  }
0x43: {  	_ =	shalt  }
0x44: {  	_ =	shalt  }
0x45: {  	_ =	shalt  }
0x46: {  	_ =	shalt  }
0x47: {  	_ =	shalt  }
0x48: {  	_ =	shalt  }
0x49: {  	_ =	shalt  }
0x4a: {  	_ =	shalt  }
0x4b: {  	_ =	shalt  }
0x4c: {  	_ =	shalt  }
0x4d: {  	_ =	shalt  }
0x4e: {  	_ =	shalt  }
0x4f: {  	_ =	shalt  }
0x50: {  	_ =	shalt  }
0x51: {  	_ =	shalt  }
0x52: {  	_ =	shalt  }
0x53: {  	_ =	shalt  }
0x54: {  	_ =	shalt  }
0x55: {  	_ =	shalt  }
0x56: {  	_ =	shalt  }
0x57: {  	_ =	shalt  }
0x58: {  	_ =	shalt  }
0x59: {  	_ =	shalt  }
0x5a: {  	_ =	shalt  }
0x5b: {  	_ =	shalt  }
0x5c: {  	_ =	shalt  }
0x5d: {  	_ =	shalt  }
0x5e: {  	_ =	shalt  }
0x5f: {  	_ =	shalt  }
0x60: {  	_ =	shalt  }
0x61: {  	_ =	shalt  }
0x62: {  	_ =	shalt  }
0x63: {  	_ =	shalt  }
0x64: {  	_ =	shalt  }
0x65: {  	_ =	shalt  }
0x66: {  	_ =	shalt  }
0x67: {  	_ =	shalt  }
0x68: {  	_ =	shalt  }
0x69: {  	_ =	shalt  }
0x6a: {  	_ =	shalt  }
0x6b: {  	_ =	shalt  }
0x6c: {  	_ =	shalt  }
0x6d: {  	_ =	shalt  }
0x6e: {  	_ =	shalt  }
0x6f: {  	_ =	shalt  }
0x70: {  	_ =	shalt  }
0x71: {  	_ =	shalt  }
0x72: {  	_ =	shalt  }
0x73: {  	_ =	shalt  }
0x74: {  	_ =	shalt  }
0x75: {  	_ =	shalt  }
0x76: {  	_ =	shalt  }
0x77: {  	_ =	shalt  }
0x78: {  	_ =	shalt  }
0x79: {  	_ =	shalt  }
0x7a: {  	_ =	shalt  }
0x7b: {  	_ =	shalt  }
0x7c: {  	_ =	shalt  }
0x7d: {  	_ =	shalt  }
0x7e: {  	_ =	shalt  }
0x7f: {  	_ =	shalt  }
0x80: {  	_ =	shalt  }
0x81: {  	_ =	shalt  }
0x82: {  	_ =	shalt  }
0x83: {  	_ =	shalt  }
0x84: {  	_ =	shalt  }
0x85: {  	_ =	shalt  }
0x86: {  	_ =	shalt  }
0x87: {  	_ =	shalt  }
.Lfunc_end0:
.L_simem_size_0:
called_computation_lowered:
.L_overlay_start_0:
0x88: {  	s2 =	sld [smem:$0x3FD9]  }
0x89: {  	s3 =	sld [smem:$0x3FFE];
	_ =	sdelay $0x1  }
0x8a: {  	s1 =	srdreg.scid  }
0x8b: {  	s0 =	sand.u32 $0x1, s1  }
0x8c: {  	s17 =	sshll.u32 s0, $0xA;
	s2 =	sadd.s32 s3, s2  }
0x8d: {  	s2 =	sadd.s32 s2, s17  }
0x8e: {  	[smem:$0x3FC5] =	sst s2  }
0x8f: {  	_ = 	snop  }
0x90: {  	s2 =	sld [smem:$0x3FC8];
	(tm) =	ssettm $0x1  }
0x91: {  	s18 =	sld [smem:$0x3FFB];
	_ =	sdelay $0x3  }
0x92: {  	_ =	strace s18  }
0x93: {  	s3 =	sld [smem:$0x3FFC];
	_ =	sdelay $0x3  }
0x94: {  	_ =	strace s3  }
0x95: {  	s3 =	sld [smem:$0x3FFD];
	_ =	sdelay $0x3  }
0x96: {  	_ =	strace s3  }
0x97: {  	_ =	strace $0x8FFFFFFF  }
0x98: {  	s19 =	sld [smem:$0x3FDB];
	_ =	sdelay $0x1  }
0x99: {  	s4 =	simm.s32 $_scs_section_size  }
0x9a: {  	s5 =	simm.s32 $_size__tile_overlayer_lowered;
	s6 =	simm.s32 $_tile_overlayer_lowered  }
0x9b: {  	s22 =	simm.s32 $0x1BFF;
	s21 =	sshll.u32 s6, $0x1;
	s3 =	sadd.s32 s4, s19  }
0x9c: {  	s7 =	simm.s32 $0x0;
	s20 =	sshll.u32 s5, $0x1;
	s5 =	sadd.s32 s21, s3  }
0x9d: {  	[timem:s7], [sflag:s22] =	dma.local [hbm:s5], s20  }
0x9e: {  	_ =	swait.ge [sflag:s22], s20  }
0x9f: {  	s4 =	ssub.s32 $0x0, s20;
	[sflag:s22] =	ssyncset.done $0x0  }
0xa0: {  	[sflag:s22] =	ssyncadd.s32 s4;
	_ =	sdelay $0x1  }
0xa1: {  	s23 =	simm.s32 $0x1B8B  }
0xa2: {  	_ =	swait.ge [sflag:s23], $0x1  }
0xa3: {  	[sflag:s23] =	ssyncset.done $0x0  }
0xa4: {  	s25 =	simm.s32 $0x1B8E;
	s24 =	sld [smem:$0x3FFE];
	[sflag:s23] =	ssyncadd.s32 $0xFFFFFFFF  }
0xa5: {  	s26 =	simm.s32 $execute0_lowered;
	[smem:$0x3FD2] =	sst s25  }
0xa6: {  	s5 =	sshll.u32 s26, $0x1;
	_ =	strace $0x80000046;
	[dreg:$0x1] =	wrdreg $0xFFFFFFFF  }
0xa7: {  	s28 =	simm.s32 $_size_execute0_lowered;
	s3 =	sadd.s32 s3, s5;
	[dreg:$0x0] =	wrdreg $0x0  }
0xa8: {  	s5 =	sshll.u32 s28, $0x1;
	[dreg:$0x2] =	wrdreg s3  }
0xa9: {  	[dreg:$0x3] =	wrdreg s5  }
0xaa: {  	[dreg:$0x4] =	wrdreg $0xC0  }
0xab: {  	_ =	task [dreg:s7], $0x5FFFF  }
0xac: {  	[dreg:$0x1] =	wrdreg $0xFFFFFFFF  }
0xad: {  	[dreg:$0x0] =	wrdreg $0x60  }
0xae: {  	[dreg:$0x2] =	wrdreg s24  }
0xaf: {  	[dreg:$0x3] =	wrdreg s2  }
0xb0: {  	[dreg:$0x4] =	wrdreg $0x9  }
0xb1: {  	_ =	task.clear_ibuf [dreg:s7], $0x5FFFF;
	_ =	strace $0x90000046  }
0xb2: {  	s29 =	simm.s32 $0x9;
	_ =	strace $0x80000048  }
0xb3: {  	_ =	swait.ge [sflag:s29], $0x1  }
0xb4: {  	[sflag:s29] =	ssyncadd.s32 $0xFFFFFFFF  }
0xb5: {  	_ =	strace $0x90000048  }
0xb6: {  	_ =	sfence  }
0xb7: {  	s30 =	sld [smem:$0x0];
	_ =	sdelay $0x2  }
0xb8: {  	s31 =	sshll.u32 s1, $0xD;
	s1 =	sshrl.u32 s1, $0x2  }
0xb9: {  	s3 =	sand.u32 $0x4000, s31;
	s1 =	sadd.s32 s1, s30  }
0xba: {  	s0 =	sor.u32 s3, s0;
	s1 =	sshll.u32 s1, $0x11  }
0xbb: {  	s0 =	sor.u32 s1, s0  }
0xbc: {  	s0 =	sadd.s32 $0x8F2B, s0  }
0xbd: {  	[sflag:s0] =	ssyncadd.remote.s32 $0x1  }
0xbe: {  	_ =	sfence.sel $0xFFFF  }
0xbf: {  	[dreg:$0x0] =	wrdreg $0xFFFFFFFF;
	(pc) =	sbr.abs _section_cstart, $3  }
0xc0: {  	[dreg:$0x1] =	wrdreg $0xFFFFFFFF  }
0xc1: {  	_ =	task.clear_ibuf [dreg:s7], $0x2FFFF;
	_ =	strace $0x9FFFFFFF  }
0xc2: {  	(tm) =	ssettm $0x7FFFFFFF  }
0xc3: {  	_ =	shalt  }
tec
execute0_lowered:
.L_overlay_start_1:
0x0: {  	(tag) =	ssettag $0x1  }
0x1: {  	s3 =	rddreg [dreg:$0x0]  }
0x2: {  	s4 =	rddreg [dreg:$0x1]  }
0x3: {  	s0 =	rddreg [dreg:$0x2]  }
0x4: {  	s5 =	srdreg.scid;
	s1 =	stileid.u32;
	s2 =	simm.s32 $0x0  }
0x5: {  	s5 =	sand.u32 $0x1, s5;
	s6 =	sshll.u32 s1, $0x1;
	[smem:$0x7FF] =	sst s2  }
0x6: {  	s10 =	simm.s32 $0x0;
	s6 =	sor.u32 s5, s6;
	_ =	strace $0x80000047  }
0x7: {  	s5 =	ssub.s32 $0x2, s5;
	s7 =	sshll.u32 s6, $0x9;
	s8 =	sshll.u32 s6, $0x4  }
0x8: {  	s31 =	sshrl.u32 s5, $0x1;
	s6 =	sshll.u32 s6, $0x6;
	s7 =	sadd.s32 s7, s3  }
0x9: {  	s8 =	sadd.s32 s8, s3;
	s9 =	ssub.s32 s5, s31;
	s4 =	sadd.s32 s4, s6  }
0xa: {  	s3 =	sadd.s32 $0x800, s7;
	s5 =	sadd.s32 $0x4800, s8;
	s6 =	smax.u32 s9, $0x1  }
0xb: {  	vm0 =	vcmask $0x704;
	v0 =	vlaneseq.u32;
	s7 =	simm.s32 $0x1;
	s8 =	simm.s32 $0x1000;
	s9 =	simm.s32 $0x1200  }
.LBB2_1:
0xc: {  	[tilespmem:s2], [sflag:$0x1] =	stream.linear.gather [hbm4b:s3+s2], $0x1000, $0x38;
	[tilespmem:$0x1280] =	vst v63  }
0xd: {  	_ =	swait.ge [sflag:s7], $0x1000  }
0xe: {  	[sflag:s7] =	ssyncset.done $0x0  }
0xf: {  	[sflag:s7] =	ssyncadd.s32 $0xFFFFF000  }
0x10: {  	[tilespmem:s8], [sflag:$0x1] =	stream.linear.gather [hbm4b:s4+s2], $0x200, $0x38;
	[tilespmem:$0x1280] =	vst v63  }
0x11: {  	_ =	swait.ge [sflag:s7], $0x200  }
0x12: {  	[sflag:s7] =	ssyncset.done $0x0  }
0x13: {  	[sflag:s7] =	ssyncadd.s32 $0xFFFFFE00  }
0x14: {  	v8 =	vld [tilespmem:$0x1000]  }
0x15: {  	v7 =	vld [tilespmem:$0x1010]  }
0x16: {  	v6 =	vld [tilespmem:$0x1020]  }
0x17: {  	v5 =	vld [tilespmem:$0x1030]  }
0x18: {  	v4 =	vld [tilespmem:$0x1040]  }
0x19: {  	v3 =	vld [tilespmem:$0x1050]  }
0x1a: {  	v2 =	vld [tilespmem:$0x1060]  }
0x1b: {  	v1 =	vld [tilespmem:$0x1070]  }
0x1c: {  	s11 =	sand.u32 $0x3C0, s2;
	v12 =	vld [tilespmem:s2+$0x0]  }
0x1d: {  	v13 =	vld [tilespmem:s11+$0x400]  }
0x1e: {  	v9 =	vld [tilespmem:s2+$0x430]  }
0x1f: {  	v21 =	vld [tilespmem:s2+$0x30]  }
0x20: {  	v14 =	vld [tilespmem:s2+$0x410]  }
0x21: {  	v15 =	vld [tilespmem:s2+$0x10]  }
0x22: {  	v10 =	vld [tilespmem:s2+$0x420]  }
0x23: {  	s11 =	simm.s32 $0x40;
	v11 =	vld [tilespmem:s2+$0x20]  }
0x24: {  	s12 =	sand.u32 $0x3C0, s11;
	v20 =	vld [tilespmem:s11+$0x0]  }
0x25: {  	v23 =	vld [tilespmem:s12+$0x400];
	v22 =	vsub.f32 v13, v12  }
0x26: {  	v24 =	vimm.f32 $0.0e+00;
	v19 =	vld [tilespmem:s11+$0x430]  }
0x27: {  	v17 =	vld [tilespmem:s11+$0x30];
	s12 =	simm.s32 $0x80;
	v12 =	vimm.f32 $0.0e+00;
	v18 =	vsub.f32 v14, v15;
	v25 =	vmul.f32 v22, v22  }
.LBB2_2:
0x28: {  	p0 =	sne.s32 s12, $0x3C0;
	v13 =	vld [tilespmem:s11+$0x410]  }
0x29: {  	v15 =	vmul.f32 v18, v18;
	v16 =	vsub.f32 v10, v11;
	v14 =	vld [tilespmem:s11+$0x10];
	v12 =	vadd.f32 v25, v12  }
0x2a: {  	v26 =	vsub.f32 v9, v21;
	v25 =	vsub.f32 v23, v20;
	v10 =	vld [tilespmem:s11+$0x420]  }
.Ltmp0:
0x2b: {  	v23 =	vand.u32 $0x7FFFFFFF, v22;
	v11 =	vld [tilespmem:s11+$0x20];
	s11 =	sadd.s32 $0x40, s11;
	v12 =	vadd.f32 v15, v12;
	v15 =	vmul.f32 v16, v16;
	v9 =	vmovc v19;
	(pc) =	sbr.rel @p0 .LBB2_2-.Ltmp0, $4  }
0x2c: {  	s13 =	sand.u32 $0x3C0, s12;
	v18 =	vand.u32 $0x7FFFFFFF, v18;
	v19 =	vmax.f32 v24, v23;
	v16 =	vand.u32 $0x7FFFFFFF, v16;
	v20 =	vld [tilespmem:s11+$0x0];
	v22 =	vmovc v25;
	v21 =	vmovc v17  }
0x2d: {  	v17 =	vmax.f32 v19, v18;
	v23 =	vld [tilespmem:s13+$0x400];
	v12 =	vadd.f32 v15, v12;
	v15 =	vmul.f32 v26, v26  }
0x2e: {  	v19 =	vld [tilespmem:s11+$0x430];
	v18 =	vsub.f32 v13, v14;
	v13 =	vmax.f32 v17, v16;
	v14 =	vand.u32 $0x7FFFFFFF, v26  }
0x2f: {  	s12 =	sadd.s32 $0x40, s12;
	v25 =	vmul.f32 v25, v22;
	v17 =	vld [tilespmem:s11+$0x30];
	v12 =	vadd.f32 v15, v12;
	v24 =	vmax.f32 v13, v14  }
0x30: {  	v26 =	vld [tilespmem:s11+$0x410]  }
0x31: {  	v27 =	vld [tilespmem:s11+$0x10]  }
0x32: {  	v28 =	vld [tilespmem:s11+$0x420]  }
0x33: {  	v29 =	vld [tilespmem:s11+$0x20]  }
0x34: {  	v16 =	vld [tilespmem:$0x1080]  }
0x35: {  	v15 =	vld [tilespmem:$0x1090]  }
0x36: {  	v14 =	vld [tilespmem:$0x10A0]  }
0x37: {  	v13 =	vld [tilespmem:$0x10B0]  }
0x38: {  	v31 =	vsub.f32 v10, v11;
	v11 =	vld [tilespmem:$0x10D0]  }
0x39: {  	v30 =	vmul.f32 v18, v18;
	v10 =	vld [tilespmem:$0x10E0];
	v25 =	vadd.f32 v25, v12  }
0x3a: {  	v21 =	vsub.f32 v9, v21;
	v9 =	vand.u32 $0x7FFFFFFF, v22;
	s11 =	simm.s32 $0x40;
	v12 =	vld [tilespmem:$0x10C0];
	v20 =	vsub.f32 v23, v20  }
0x3b: {  	s31 =	sand.u32 $0x3C0, s11;
	v23 =	vmax.f32 v24, v9;
	v9 =	vld [tilespmem:$0x10F0];
	v22 =	vadd.f32 v30, v25;
	v25 =	vmul.f32 v31, v31  }
0x3c: {  	s12 =	simm.s32 $0x0;
	v18 =	vand.u32 $0x7FFFFFFF, v18;
	v34 =	vld [tilespmem:s31+$0x800]  }
0x3d: {  	v24 =	vmul.f32 v21, v21;
	v30 =	vld [tilespmem:s12+$0x0];
	v23 =	vmax.f32 v23, v18;
	v22 =	vadd.f32 v25, v22  }
0x3e: {  	v18 =	vld [tilespmem:s12+$0x830];
	v17 =	vsub.f32 v19, v17;
	v25 =	vand.u32 $0x7FFFFFFF, v31;
	v26 =	vsub.f32 v26, v27  }
0x3f: {  	s30 =	sand.u32 $0x3C0, s12;
	v19 =	vld [tilespmem:s12+$0x10];
	v27 =	vmul.f32 v20, v20;
	v20 =	vand.u32 $0x7FFFFFFF, v20;
	v22 =	vadd.f32 v24, v22  }
0x40: {  	v31 =	vld [tilespmem:s30+$0x800];
	v23 =	vmax.f32 v23, v25;
	v24 =	vand.u32 $0x7FFFFFFF, v21;
	v25 =	vmul.f32 v26, v26  }
0x41: {  	v23 =	vmax.f32 v23, v24;
	v22 =	vadd.f32 v27, v22;
	v27 =	vsub.f32 v28, v29;
	v29 =	vld [tilespmem:s12+$0x810]  }
0x42: {  	v21 =	vld [tilespmem:s12+$0x30];
	v26 =	vand.u32 $0x7FFFFFFF, v26;
	v20 =	vmax.f32 v23, v20  }
0x43: {  	v23 =	vld [tilespmem:s12+$0x20];
	v20 =	vmax.f32 v20, v26;
	v24 =	vadd.f32 v25, v22;
	v25 =	vmul.f32 v27, v27  }
0x44: {  	v26 =	vmul.f32 v17, v17;
	v17 =	vand.u32 $0x7FFFFFFF, v17;
	v22 =	vld [tilespmem:s12+$0x820];
	v27 =	vand.u32 $0x7FFFFFFF, v27  }
0x45: {  	v33 =	vsub.f32 v31, v30;
	v27 =	vmax.f32 v20, v27;
	v24 =	vadd.f32 v25, v24;
	v25 =	vld [tilespmem:s11+$0x0]  }
0x46: {  	v35 =	vimm.f32 $0.0e+00;
	v28 =	vld [tilespmem:s11+$0x830];
	v17 =	vmax.f32 v27, v17;
	v30 =	vsub.f32 v29, v19  }
0x47: {  	s12 =	simm.s32 $0x80;
	v19 =	vld [tilespmem:s11+$0x30];
	v20 =	vadd.f32 v26, v24;
	v24 =	vimm.f32 $0.0e+00;
	v26 =	vmul.f32 v33, v33  }
.LBB2_4:
0x48: {  	p0 =	sne.s32 s12, $0x3C0;
	v27 =	vld [tilespmem:s11+$0x810]  }
0x49: {  	v31 =	vsub.f32 v22, v23;
	v29 =	vld [tilespmem:s11+$0x10];
	v24 =	vadd.f32 v26, v24;
	v26 =	vmul.f32 v30, v30  }
0x4a: {  	v36 =	vsub.f32 v18, v21;
	v32 =	vsub.f32 v34, v25;
	v22 =	vld [tilespmem:s11+$0x820]  }
.Ltmp1:
0x4b: {  	v34 =	vand.u32 $0x7FFFFFFF, v33;
	v23 =	vld [tilespmem:s11+$0x20];
	s11 =	sadd.s32 $0x40, s11;
	v24 =	vadd.f32 v26, v24;
	v26 =	vmul.f32 v31, v31;
	v18 =	vmovc v28;
	(pc) =	sbr.rel @p0 .LBB2_4-.Ltmp1, $4  }
0x4c: {  	s13 =	sand.u32 $0x3C0, s12;
	v30 =	vand.u32 $0x7FFFFFFF, v30;
	v28 =	vmax.f32 v35, v34;
	v31 =	vand.u32 $0x7FFFFFFF, v31;
	v25 =	vld [tilespmem:s11+$0x0];
	v33 =	vmovc v32;
	v21 =	vmovc v19  }
0x4d: {  	v35 =	vmul.f32 v36, v36;
	v19 =	vmax.f32 v28, v30;
	v34 =	vld [tilespmem:s13+$0x800];
	v24 =	vadd.f32 v26, v24  }
0x4e: {  	v28 =	vld [tilespmem:s11+$0x830];
	v30 =	vsub.f32 v27, v29;
	v27 =	vmax.f32 v19, v31;
	v29 =	vand.u32 $0x7FFFFFFF, v36  }
0x4f: {  	s12 =	sadd.s32 $0x40, s12;
	v26 =	vmul.f32 v32, v33;
	v19 =	vld [tilespmem:s11+$0x30];
	v24 =	vadd.f32 v35, v24;
	v35 =	vmax.f32 v27, v29  }
0x50: {  	v36 =	vld [tilespmem:s11+$0x810]  }
0x51: {  	v37 =	vld [tilespmem:s11+$0x10]  }
0x52: {  	v38 =	vld [tilespmem:s11+$0x820]  }
0x53: {  	v39 =	vld [tilespmem:s11+$0x20]  }
0x54: {  	v31 =	vld [tilespmem:$0x1100]  }
0x55: {  	v32 =	vld [tilespmem:$0x1110]  }
0x56: {  	v29 =	vld [tilespmem:$0x1120]  }
0x57: {  	v27 =	vld [tilespmem:$0x1130]  }
0x58: {  	v42 =	vsub.f32 v22, v23;
	v23 =	vld [tilespmem:$0x1160]  }
0x59: {  	v41 =	vmul.f32 v30, v30;
	v22 =	vld [tilespmem:$0x1170];
	v40 =	vadd.f32 v26, v24  }
0x5a: {  	v18 =	vsub.f32 v18, v21;
	v26 =	vld [tilespmem:$0x1140]  }
0x5b: {  	v21 =	vand.u32 $0x7FFFFFFF, v33;
	s12 =	simm.s32 $0x0;
	v24 =	vld [tilespmem:$0x1150];
	v49 =	vmul.f32 v42, v42;
	v48 =	vadd.f32 v41, v40  }
0x5c: {  	v21 =	vmax.f32 v35, v21;
	v51 =	vld [tilespmem:s12+$0x0];
	v34 =	vsub.f32 v34, v25;
	v25 =	vand.u32 $0x7FFFFFFF, v30  }
0x5d: {  	v58 =	vld [tilespmem:s12+$0xC10];
	v50 =	vmul.f32 v18, v18;
	v52 =	vand.u32 $0x7FFFFFFF, v42;
	v30 =	vadd.f32 v49, v48  }
0x5e: {  	s30 =	sand.u32 $0x3C0, s12;
	v59 =	vld [tilespmem:s12+$0x10];
	v18 =	vand.u32 $0x7FFFFFFF, v18;
	v25 =	vmax.f32 v21, v25;
	v54 =	vmul.f32 v34, v34  }
0x5f: {  	v53 =	vld [tilespmem:s30+$0xC00];
	v55 =	vmax.f32 v25, v52;
	v36 =	vsub.f32 v36, v37;
	v30 =	vadd.f32 v50, v30  }
0x60: {  	v21 =	vld [tilespmem:s12+$0xC30];
	v19 =	vsub.f32 v28, v19;
	v34 =	vand.u32 $0x7FFFFFFF, v34;
	v57 =	vsub.f32 v38, v39  }
0x61: {  	s11 =	simm.s32 $0x40;
	v25 =	vld [tilespmem:s12+$0x30];
	v18 =	vmax.f32 v55, v18;
	v56 =	vmul.f32 v36, v36;
	v30 =	vadd.f32 v54, v30  }
0x62: {  	s31 =	sand.u32 $0x3C0, s11;
	v28 =	vld [tilespmem:s12+$0xC20];
	v18 =	vmax.f32 v18, v34;
	v63 =	vmul.f32 v19, v19  }
0x63: {  	v39 =	vld [tilespmem:s31+$0xC00];
	v38 =	vmul.f32 v57, v57;
	v60 =	vand.u32 $0x7FFFFFFF, v36;
	v35 =	vadd.f32 v56, v30  }
0x64: {  	v19 =	vand.u32 $0x7FFFFFFF, v19;
	v61 =	vand.u32 $0x7FFFFFFF, v57;
	v18 =	vmax.f32 v18, v60;
	v30 =	vld [tilespmem:s12+$0x20]  }
0x65: {  	v34 =	vsub.f32 v53, v51;
	v18 =	vmax.f32 v18, v61;
	v62 =	vadd.f32 v38, v35;
	v35 =	vld [tilespmem:s11+$0x0]  }
0x66: {  	v40 =	vimm.f32 $0.0e+00;
	v37 =	vimm.f32 $0.0e+00;
	v36 =	vmax.f32 v18, v19;
	v19 =	vld [tilespmem:s11+$0xC30]  }
0x67: {  	v33 =	vsub.f32 v58, v59;
	v41 =	vmul.f32 v34, v34;
	v18 =	vld [tilespmem:s11+$0x30];
	s12 =	simm.s32 $0x80;
	v38 =	vadd.f32 v63, v62  }
.LBB2_6:
0x68: {  	p0 =	sne.s32 s12, $0x3C0;
	v42 =	vld [tilespmem:s11+$0xC10]  }
0x69: {  	v44 =	vsub.f32 v28, v30;
	v43 =	vld [tilespmem:s11+$0x10];
	v40 =	vadd.f32 v41, v40;
	v41 =	vmul.f32 v33, v33  }
0x6a: {  	v46 =	vsub.f32 v21, v25;
	v45 =	vsub.f32 v39, v35;
	v28 =	vld [tilespmem:s11+$0xC20]  }
.Ltmp2:
0x6b: {  	v39 =	vand.u32 $0x7FFFFFFF, v34;
	v30 =	vld [tilespmem:s11+$0x20];
	s11 =	sadd.s32 $0x40, s11;
	v40 =	vadd.f32 v41, v40;
	v41 =	vmul.f32 v44, v44;
	v21 =	vmovc v19;
	(pc) =	sbr.rel @p0 .LBB2_6-.Ltmp2, $4  }
0x6c: {  	s13 =	sand.u32 $0x3C0, s12;
	v33 =	vand.u32 $0x7FFFFFFF, v33;
	v19 =	vmax.f32 v37, v39;
	v37 =	vand.u32 $0x7FFFFFFF, v44;
	v35 =	vld [tilespmem:s11+$0x0];
	v34 =	vmovc v45;
	v25 =	vmovc v18  }
0x6d: {  	v44 =	vmul.f32 v46, v46;
	v18 =	vmax.f32 v19, v33;
	v39 =	vld [tilespmem:s13+$0xC00];
	v40 =	vadd.f32 v41, v40  }
0x6e: {  	v37 =	vmax.f32 v18, v37;
	v19 =	vld [tilespmem:s11+$0xC30];
	v33 =	vsub.f32 v42, v43;
	v42 =	vand.u32 $0x7FFFFFFF, v46  }
0x6f: {  	s12 =	sadd.s32 $0x40, s12;
	v41 =	vmul.f32 v45, v34;
	v18 =	vld [tilespmem:s11+$0x30];
	v40 =	vadd.f32 v44, v40;
	v37 =	vmax.f32 v37, v42  }
0x70: {  	v42 =	vmul.f32 v8, v8;
	v43 =	vmul.f32 v7, v7;
	_ =	sdelay $0x1  }
0x71: {  	v48 =	vmul.f32 v6, v6;
	v42 =	vadd.f32 v43, v42;
	_ =	sdelay $0x1  }
0x72: {  	v49 =	vmul.f32 v5, v5;
	v42 =	vadd.f32 v48, v42;
	_ =	sdelay $0x1  }
0x73: {  	v50 =	vmul.f32 v4, v4;
	v42 =	vadd.f32 v49, v42  }
0x74: {  	v45 =	vadd.f32 $0.0e+00, v8  }
0x75: {  	v44 =	vmul.f32 v16, v8;
	v51 =	vmul.f32 v3, v3;
	v42 =	vadd.f32 v50, v42  }
0x76: {  	v46 =	vmul.f32 v15, v7;
	v52 =	vmul.f32 v16, v16;
	v45 =	vadd.f32 v7, v45  }
0x77: {  	v53 =	vmul.f32 v2, v2;
	v44 =	vadd.f32 $0.0e+00, v44;
	v42 =	vadd.f32 v51, v42  }
0x78: {  	v54 =	vmul.f32 v15, v15;
	v55 =	vmul.f32 v14, v6;
	v45 =	vadd.f32 v6, v45  }
0x79: {  	v56 =	vmul.f32 v1, v1;
	v44 =	vadd.f32 v46, v44;
	v42 =	vadd.f32 v53, v42  }
0x7a: {  	v57 =	vmul.f32 v14, v14;
	v15 =	vadd.f32 v54, v52;
	v58 =	vadd.f32 v5, v45  }
0x7b: {  	v59 =	vmul.f32 v13, v5;
	v44 =	vadd.f32 v55, v44;
	v42 =	vadd.f32 v56, v42  }
0x7c: {  	v60 =	vmul.f32 v13, v13;
	v14 =	vadd.f32 v57, v15;
	v61 =	vadd.f32 v4, v58  }
0x7d: {  	v63 =	vmul.f32 v12, v4;
	v62 =	vadd.f32 v59, v44;
	(xrf2) =	vadd.scan.msk.f32 $0xffff, v42  }
0x7e: {  	v13 =	vadd.f32 v60, v14;
	v44 =	vadd.f32 v3, v61;
	v42 =	vmul.f32 v12, v12  }
0x7f: {  	v46 =	vmul.f32 v11, v3;
	v45 =	vadd.f32 v63, v62  }
0x80: {  	v47 =	vmul.f32 v11, v11;
	v48 =	vadd.f32 v2, v44;
	v12 =	vadd.f32 v42, v13  }
0x81: {  	v50 =	vmul.f32 v10, v2;
	v49 =	vadd.f32 v46, v45  }
0x82: {  	v51 =	vmul.f32 v10, v10;
	v52 =	vadd.f32 v1, v48;
	v11 =	vadd.f32 v47, v12  }
0x83: {  	v54 =	vmul.f32 v9, v1;
	v53 =	vadd.f32 v50, v49  }
0x84: {  	v55 =	vmul.f32 v9, v9;
	(xrf2) =	vadd.scan.msk.f32 $0xffff, v52;
	v10 =	vadd.f32 v51, v11  }
0x85: {  	v56 =	vadd.f32 v54, v53;
	(xrf2) =	vadd.scan.msk.f32 $0xffff, v20  }
0x86: {  	v9 =	vadd.f32 v55, v10  }
0x87: {  	v57, _, _ =	vpop (xrf2);
	(xrf2) =	vadd.scan.msk.f32 $0xffff, v56  }
0x88: {  	(v2sf) =	vpush v57, $0xF;
	(xrf2) =	vadd.scan.msk.f32 $0xffff, v9  }
0x89: {  	v58 =	vmul.f32 v31, v8  }
0x8a: {  	(xrf0) =	vmax.scan.msk.f32 $0xffff, v17  }
0x8b: {  	v60 =	vmul.f32 v32, v7;
	v59 =	vadd.f32 $0.0e+00, v58  }
0x8c: {  	v61 =	vmul.f32 v31, v31;
	v62 =	vmul.f32 v32, v32  }
0x8d: {  	v63 =	vmul.f32 v29, v6;
	v10 =	vadd.f32 v60, v59  }
0x8e: {  	v17 =	vmul.f32 v29, v29;
	v12 =	vadd.f32 v62, v61;
	v9, _, _ =	vpop (xrf2)  }
0x8f: {  	v29 =	vmul.f32 v27, v5;
	v10 =	vadd.f32 v63, v10;
	v16, _, _ =	vpop (xrf2)  }
0x90: {  	v32 =	vmul.f32 v27, v27;
	v20, _, _ =	vpop (xrf0);
	v12 =	vadd.f32 v17, v12;
	(v2sf) =	vpush v16, $0xF  }
0x91: {  	v43 =	vmul.f32 v26, v4;
	v10 =	vadd.f32 v29, v10;
	(v2sf) =	vpush v20, $0xF;
	v31, _, _ =	vpop (xrf2)  }
0x92: {  	v44 =	vmul.f32 v26, v26;
	v12 =	vadd.f32 v32, v12;
	(v2sf) =	vpush v31, $0xF;
	v42, _, _ =	vpop (xrf2)  }
0x93: {  	v45 =	vmul.f32 v24, v3;
	v10 =	vadd.f32 v43, v10;
	(v2sf) =	vpush v42, $0xF  }
0x94: {  	v46 =	vmul.f32 v24, v24;
	v12 =	vadd.f32 v44, v12  }
0x95: {  	v47 =	vmul.f32 v23, v2;
	v10 =	vadd.f32 v45, v10  }
0x96: {  	v48 =	vmul.f32 v23, v23;
	v12 =	vadd.f32 v46, v12  }
0x97: {  	v49 =	vmul.f32 v22, v1;
	v10 =	vadd.f32 v47, v10;
	s12 =	spop (v2sf)  }
0x98: {  	v58 =	vld [tilespmem:$0x1190];
	v50 =	vmul.f32 v22, v22;
	v12 =	vadd.f32 v48, v12;
	s13 =	sshra.s32 s12, $0x1;
	s14 =	smul.f32 $5.000000000e-01, s12  }
0x99: {  	v54 =	vld [tilespmem:$0x1180];
	v10 =	vadd.f32 v49, v10;
	(xrf2) =	vadd.scan.msk.f32 $0xffff, v38;
	s30 =	ssub.s32 $0x5F3759DF, s13  }
0x9a: {  	v55 =	vld [tilespmem:s11+$0xC10];
	v51 =	vadd.f32 v50, v12;
	s13 =	smul.f32 s30, s14  }
0x9b: {  	v59 =	vld [tilespmem:s11+$0x10];
	(xrf2) =	vadd.scan.msk.f32 $0xffff, v10  }
0x9c: {  	v53 =	vmul.f32 v33, v33;
	v52 =	vadd.f32 v41, v40;
	v56 =	vsub.f32 v28, v30;
	v63 =	vld [tilespmem:$0x11A0];
	(xrf2) =	vadd.scan.msk.f32 $0xffff, v51;
	s13 =	smul.f32 s30, s13  }
0x9d: {  	v15 =	vsub.f32 v39, v35;
	v38 =	vld [tilespmem:s11+$0x20]  }
0x9e: {  	(xrf0) =	vmax.scan.msk.f32 $0xffff, v36;
	v60 =	vmul.f32 v56, v56;
	v16 =	vsub.f32 v21, v25;
	v31 =	vld [tilespmem:s11+$0xC20];
	v10 =	vadd.f32 v53, v52;
	s13 =	ssub.f32 $1.500000000e+00, s13  }
0x9f: {  	v18 =	vsub.f32 v19, v18;
	v35 =	vmul.f32 v15, v15;
	v32 =	vmul.f32 v54, v8;
	s15 =	spop (v2sf)  }
0xa0: {  	v36 =	vld [tilespmem:$0x11B0];
	v57 =	vand.u32 $0x7FFFFFFF, v34;
	v34 =	vmul.f32 v16, v16;
	v10 =	vadd.f32 v60, v10;
	s12 =	spop (v2sf);
	s17 =	smul.f32 s30, s13  }
0xa1: {  	v39 =	vmul.f32 v58, v7;
	v61 =	vand.u32 $0x7FFFFFFF, v33;
	v8 =	vadd.f32 $0.0e+00, v32;
	s31 =	spop (v2sf)  }
0xa2: {  	v17 =	vmax.f32 v37, v57;
	v13 =	vsub.f32 v55, v59;
	v10 =	vadd.f32 v34, v10;
	s18 =	smul.f32 s17, s14;
	s16 =	spop (v2sf)  }
0xa3: {  	v40 =	vld [tilespmem:$0x11C0];
	v7 =	vadd.f32 v39, v8;
	v41 =	vmul.f32 v63, v6;
	v47 =	vsub.f32 v31, v38;
	v62, _, _ =	vpop (xrf2);
	s19 =	sshra.s32 s16, $0x1;
	s16 =	smul.f32 $5.000000000e-01, s16  }
0xa4: {  	v30, _, _ =	vpop (xrf0);
	v20 =	vmul.f32 v13, v13;
	v42 =	vadd.f32 v35, v10;
	(v2sf) =	vpush v62, $0xF;
	s18 =	smul.f32 s18, s17;
	s19 =	ssub.s32 $0x5F3759DF, s19  }
0xa5: {  	v46 =	vmul.f32 v36, v5;
	v45 =	vld [tilespmem:$0x11D0];
	v6 =	vadd.f32 v41, v7;
	(v2sf) =	vpush v30, $0xF;
	v33, _, _ =	vpop (xrf2);
	s20 =	smul.f32 s19, s16  }
0xa6: {  	v51 =	vmul.f32 v47, v47;
	v8 =	vadd.f32 v20, v42;
	(v2sf) =	vpush v33, $0xF;
	v37, _, _ =	vpop (xrf2);
	s18 =	ssub.f32 $1.500000000e+00, s18  }
0xa7: {  	v57 =	vmul.f32 v18, v18;
	v12 =	vmul.f32 v54, v54;
	v49 =	vld [tilespmem:$0x11E0];
	(v2sf) =	vpush v37, $0xF;
	s20 =	smul.f32 s19, s20  }
0xa8: {  	v50 =	vmul.f32 v40, v4;
	v5 =	vadd.f32 v46, v6;
	v54 =	vadd.f32 v51, v8;
	s17 =	smul.f32 s18, s17  }
0xa9: {  	v11 =	vmul.f32 v58, v58;
	v14 =	vand.u32 $0x7FFFFFFF, v56;
	v17 =	vmax.f32 v17, v61;
	v53 =	vld [tilespmem:$0x11F0];
	s20 =	ssub.f32 $1.500000000e+00, s20  }
0xaa: {  	v4 =	vadd.f32 v50, v5;
	v3 =	vmul.f32 v45, v3;
	v5 =	vadd.f32 v57, v54;
	s14 =	smul.f32 s17, s14  }
0xab: {  	v61 =	vand.u32 $0x7FFFFFFF, v15;
	v44 =	vmul.f32 v63, v63;
	v43 =	vadd.f32 v11, v12;
	s11 =	smul.f32 s19, s20  }
0xac: {  	v48 =	vmul.f32 v36, v36;
	v3 =	vadd.f32 v3, v4;
	v2 =	vmul.f32 v49, v2;
	(xrf2) =	vadd.scan.msk.f32 $0xffff, v5;
	s14 =	smul.f32 s14, s17  }
0xad: {  	v58 =	vmax.f32 v17, v14;
	v56 =	vmul.f32 v45, v45;
	v10 =	vadd.f32 v44, v43;
	s21 =	smul.f32 s11, s16  }
0xae: {  	v2 =	vadd.f32 v2, v3;
	v1 =	vmul.f32 v53, v1;
	v3 =	vand.u32 $0x7FFFFFFF, v16  }
0xaf: {  	v52 =	vmul.f32 v40, v40;
	v3 =	vmax.f32 v58, v3;
	v10 =	vadd.f32 v48, v10;
	s14 =	ssub.f32 $1.500000000e+00, s14;
	s18 =	smul.f32 s21, s11  }
0xb0: {  	v1 =	vadd.f32 v1, v2;
	v2 =	vmax.f32 v3, v61;
	v3 =	vand.u32 $0x7FFFFFFF, v13;
	s23 =	sshra.s32 s15, $0x1;
	s15 =	smul.f32 $5.000000000e-01, s15  }
0xb1: {  	v63 =	vand.u32 $0x7FFFFFFF, v47;
	v2 =	vmax.f32 v2, v3;
	v55 =	vadd.f32 v52, v10;
	s14 =	smul.f32 s14, s17;
	s22 =	ssub.f32 $1.500000000e+00, s18;
	s18 =	ssub.s32 $0x5F3759DF, s23  }
0xb2: {  	(xrf2) =	vadd.scan.msk.f32 $0xffff, v1;
	v1 =	vmax.f32 v2, v63;
	v2 =	vand.u32 $0x7FFFFFFF, v18;
	s24 =	smul.f32 s18, s15  }
0xb3: {  	v59 =	vmul.f32 v49, v49;
	v6 =	vadd.f32 v56, v55;
	v1 =	vmax.f32 v1, v2;
	s25 =	spop (v2sf);
	s13 =	smul.f32 s31, s14  }
0xb4: {  	s17 =	smul.f32 s22, s11;
	s11 =	spop (v2sf)  }
0xb5: {  	v60 =	vmul.f32 v53, v53;
	v6 =	vadd.f32 v59, v6;
	s26 =	smul.f32 s18, s24;
	s21 =	spop (v2sf)  }
0xb6: {  	(xrf0) =	vmax.scan.msk.f32 $0xffff, v1;
	v1, _, _ =	vpop (xrf2);
	s16 =	smul.f32 s17, s16;
	s22 =	spop (v2sf)  }
0xb7: {  	v62 =	vadd.f32 v60, v6;
	(v2sf) =	vpush v1, $0xF;
	s20 =	ssub.f32 $1.500000000e+00, s26;
	s23 =	sshra.s32 s22, $0x1;
	s22 =	smul.f32 $5.000000000e-01, s22  }
0xb8: {  	s16 =	smul.f32 s16, s17  }
0xb9: {  	(xrf2) =	vadd.scan.msk.f32 $0xffff, v62;
	s28 =	ssub.s32 $0x5F3759DF, s23;
	s18 =	smul.f32 s18, s20  }
0xba: {  	s23 =	smul.f32 s28, s22  }
0xbb: {  	s16 =	ssub.f32 $1.500000000e+00, s16;
	s24 =	smul.f32 s18, s15  }
0xbc: {  	s23 =	smul.f32 s28, s23  }
0xbd: {  	s16 =	smul.f32 s16, s17  }
0xbe: {  	s24 =	smul.f32 s24, s18  }
0xbf: {  	v1, _, _ =	vpop (xrf0);
	s23 =	ssub.f32 $1.500000000e+00, s23  }
0xc0: {  	(v2sf) =	vpush v1, $0xF;
	s13 =	smul.f32 s16, s13;
	s29 =	ssub.f32 $1.500000000e+00, s24  }
0xc1: {  	v2, _, _ =	vpop (xrf2);
	s20 =	smul.f32 s28, s23  }
0xc2: {  	(v2sf) =	vpush v2, $0xF;
	s17 =	smul.f32 s29, s18  }
0xc3: {  	v1, _, _ =	vpop (xrf2);
	s30 =	smul.f32 s20, s22  }
0xc4: {  	(v2sf) =	vpush v1, $0xF;
	s15 =	smul.f32 s17, s15  }
0xc5: {  	s18 =	smul.f32 s30, s20  }
0xc6: {  	s26 =	spop (v2sf);
	s24 =	smul.f32 s21, s14  }
0xc7: {  	s15 =	smul.f32 s15, s17;
	s18 =	ssub.f32 $1.500000000e+00, s18  }
0xc8: {  	s21 =	smul.f32 $5.000000000e-01, s26  }
0xc9: {  	s15 =	ssub.f32 $1.500000000e+00, s15;
	s31 =	smul.f32 s18, s20  }
0xca: {  	s18 =	smul.f32 $5.000000000e-01, s25  }
0xcb: {  	s23 =	sshra.s32 s25, $0x1;
	s15 =	smul.f32 s15, s17  }
0xcc: {  	s20 =	smul.f32 s31, s22;
	s17 =	ssub.s32 $0x5F3759DF, s23  }
0xcd: {  	s25 =	smul.f32 s17, s18  }
0xce: {  	s13 =	ssub.f32 $1.000000000e+00, s13;
	s22 =	smul.f32 s20, s31  }
0xcf: {  	s16 =	spop (v2sf);
	s20 =	smul.f32 s17, s25;
	s25 =	sshra.s32 s26, $0x1  }
0xd0: {  	s13 =	smul.f32 s13, s15;
	s15 =	ssub.f32 $1.500000000e+00, s22;
	s25 =	ssub.s32 $0x5F3759DF, s25  }
0xd1: {  	s22 =	spop (v2sf);
	s26 =	smul.f32 s25, s21  }
0xd2: {  	s28 =	ssub.f32 $1.500000000e+00, s20;
	s14 =	smul.f32 s22, s14  }
0xd3: {  	s29 =	spop (v2sf);
	s15 =	smul.f32 s15, s31  }
0xd4: {  	s30 =	sshra.s32 s29, $0x1;
	s20 =	smul.f32 $5.000000000e-01, s29  }
0xd5: {  	s17 =	smul.f32 s17, s28;
	s31 =	ssub.s32 $0x5F3759DF, s30  }
0xd6: {  	s23 =	smul.f32 s31, s20  }
0xd7: {  	s30 =	smul.f32 s25, s26  }
0xd8: {  	s23 =	smul.f32 s31, s23  }
0xd9: {  	s28 =	smul.f32 s17, s18  }
0xda: {  	s15 =	smul.f32 s15, s24;
	s23 =	ssub.f32 $1.500000000e+00, s23  }
0xdb: {  	s24 =	smul.f32 s28, s17;
	s28 =	ssub.f32 $1.500000000e+00, s30  }
0xdc: {  	s19 =	smul.f32 s31, s23  }
0xdd: {  	s29 =	ssub.f32 $1.500000000e+00, s24;
	s23 =	smul.f32 s25, s28  }
0xde: {  	s31 =	smul.f32 s19, s20  }
0xdf: {  	s17 =	smul.f32 s29, s17  }
0xe0: {  	s29 =	smul.f32 s31, s19  }
0xe1: {  	s31 =	smul.f32 s23, s21  }
0xe2: {  	s18 =	smul.f32 s17, s18;
	s30 =	ssub.f32 $1.500000000e+00, s29  }
0xe3: {  	s25 =	smul.f32 s31, s23  }
0xe4: {  	s19 =	smul.f32 s30, s19  }
0xe5: {  	s18 =	smul.f32 s18, s17;
	s22 =	ssub.f32 $1.500000000e+00, s25  }
0xe6: {  	s20 =	smul.f32 s19, s20  }
0xe7: {  	s22 =	smul.f32 s22, s23  }
0xe8: {  	s20 =	smul.f32 s20, s19  }
0xe9: {  	s21 =	smul.f32 s22, s21  }
0xea: {  	s20 =	ssub.f32 $1.500000000e+00, s20  }
0xeb: {  	s18 =	ssub.f32 $1.500000000e+00, s18;
	s26 =	smul.f32 s21, s22  }
0xec: {  	s19 =	smul.f32 s20, s19  }
0xed: {  	s15 =	ssub.f32 $1.000000000e+00, s15;
	s17 =	smul.f32 s18, s17  }
0xee: {  	s28 =	ssub.f32 $1.500000000e+00, s26;
	s14 =	smul.f32 s19, s14  }
0xef: {  	s13 =	sadd.f32 $-5.000000070e-02, s13;
	s15 =	smul.f32 s15, s17  }
0xf0: {  	s29 =	smul.f32 s28, s22;
	s14 =	ssub.f32 $1.000000000e+00, s14  }
0xf1: {  	p0 =	seq.f32 s12, $0.0e+00;
	s12 =	smax.f32 s13, $0.0e+00  }
0xf2: {  	s30 =	sadd.f32 $-5.000000070e-02, s15;
	s14 =	smul.f32 s14, s29  }
0xf3: {  	s12 =	simm.s32 @p0 $0x0;
	p0 =	seq.f32 s11, $0.0e+00  }
0xf4: {  	s11 =	smax.f32 s30, $0.0e+00;
	s31 =	sadd.f32 $-5.000000070e-02, s14  }
0xf5: {  	s11 =	simm.s32 @p0 $0x0;
	p0 =	seq.f32 s16, $0.0e+00  }
0xf6: {  	s11 =	sadd.f32 s11, s12;
	s12 =	smax.f32 s31, $0.0e+00  }
0xf7: {  	v1 =	vbroadcast v9, $0xF;
	s12 =	simm.s32 @p0 $0x0  }
0xf8: {  	s11 =	sadd.f32 s12, s11  }
0xf9: {  	vm1 =	veq.s32 v0, $0x0;
	s10 =	sadd.s32 $0x1, s10;
	v1 =	vnsel vm0, $0x0, v1  }
0xfa: {  	p0 =	sne.s32 s10, s6;
	v1 =	vsel vm1, s11, v1  }
.Ltmp3:
0xfb: {  	[tilespmem:$0x1200] =	vst v1;
	(pc) =	sbr.rel @p0 .LBB2_1-.Ltmp3, $4  }
0xfc: {  	[hbm4b:s5+s2] =	stream.linear.scatter [tilespmem:s9], [sflag:$0x1], $0x80, $0x38;
	[tilespmem:$0x1280] =	vst v63  }
0xfd: {  	_ =	swait.ge [sflag:s7], $0x80  }
0xfe: {  	[sflag:s7] =	ssyncset.done $0x0  }
0xff: {  	[sflag:s7] =	ssyncadd.s32 $0xFFFFFF80  }
0x100: {  	_ =	sfence.sel $0x180000  }
0x101: {  	[bflag:$0x0] =	sbarrier.arrive $0xFFFF  }
0x102: {  	p0 =	sne.s32 s1, $0x0;
	_ =	strace $0x90000047  }
0x103: {  	s0 =	sadd.s32 @!p0 $0x100000, s0;
	[bflag:$0x2] =	sbarrier.arrive $0xFFFF  }
0x104: {  	[sflag:s0] =	ssyncadd.tile.s32 @!p0 $0x1;
	_ =	shalt  }
.Lfunc_end2:
_tile_overlayer_lowered:
.L_overlay_start_2:
0x105: {  	(tag) =	ssettag $0x2  }
0x106: {  	s0 =	rddreg [dreg:$0x0];
	s2 =	stileid.u32  }
0x107: {  	s1 =	rddreg [dreg:$0x1];
	p0 =	sne.s32 s2, $0x0  }
0x108: {  	s3 =	rddreg [dreg:$0x2];
	[bflag:$0x3] =	sbarrier.arrive $0xFFFF;
	s2 =	simm.s32 @!p0 $0x1C01  }
0x109: {  	[timem:s3], [sflag:s2] =	dma.local @!p0 [hbm:s0], s1  }
0x10a: {  	s0 =	simm.s32 @!p0 $0x1  }
0x10b: {  	_ =	swait.ge @!p0 [sflag:s0], s1  }
0x10c: {  	s1 =	ssub.s32 @!p0 $0x0, s1;
	[sflag:s0] =	ssyncset.done @!p0 $0x0  }
0x10d: {  	[sflag:s0] =	ssyncadd.s32 @!p0 s1  }
0x10e: {  	[bflag:$0x3] =	sbarrier.arrive $0xFFFF  }
0x10f: {  	_ =	shalt  }

</sc_bundles>
